<compile_context>
chip_gen: v7x
topology: tpu7x:2x2x1
jax: 0.10.2.dev20260603
libtpu: 0.0.44.dev20260713+nightly
codegen_flags: <defaults>
</compile_context>

<pallas_src>
import jax
import jax.numpy as jnp
from jax import lax
from jax.experimental import pallas as pl
from jax.experimental.pallas import tpu as pltpu
from jax.experimental.pallas import tpu_sc as plsc

VOCAB = 1000000
EMSIZE = 64
BATCH = 4096
SEQ = 200

_INFO = plsc.get_sparse_core_info()
_NC = _INFO.num_cores
_NS = _INFO.num_subcores
_NW = _NC * _NS
_ROWS = BATCH * SEQ
_RPW = _ROWS // _NW
_CHUNK = 256
_NCHUNK = _RPW // _CHUNK
_NBUF = 5
_PREF = 3
_POSREP = 3


def _sc_body(seq_hbm, word_hbm, pos2_hbm, out_hbm,
             idx_v, pos_sh, bufs_v, gsem, ssem, psem):
    sid = lax.axis_index("s")
    wid = sid * _NC + lax.axis_index("c")

    pltpu.sync_copy(seq_hbm.at[wid], idx_v)

    @pl.when(sid == 0)
    def _():
        pltpu.sync_copy(pos2_hbm, pos_sh)

    plsc.subcore_barrier()

    base = wid * _RPW

    def prefill_start(c, b):
        off = (c * _CHUNK) % SEQ
        pltpu.async_copy(pos_sh.at[pl.ds(off, _CHUNK)], bufs_v.at[b],
                         psem.at[b])

    def prefill_wait(c, b):
        off = (c * _CHUNK) % SEQ
        pltpu.make_async_copy(pos_sh.at[pl.ds(off, _CHUNK)], bufs_v.at[b],
                              psem.at[b]).wait()

    def gather_start(c, b):
        pltpu.async_copy(word_hbm.at[idx_v.at[c]], bufs_v.at[b], gsem.at[b],
                         add=True)

    def gather_wait(c, b):
        pltpu.make_async_copy(
            word_hbm.at[idx_v.at[c]], bufs_v.at[b], gsem.at[b]).wait()

    def store_start(c, b):
        pltpu.async_copy(
            bufs_v.at[b],
            out_hbm.at[pl.ds(base + c * _CHUNK, _CHUNK), pl.ds(0, EMSIZE)],
            ssem.at[b])

    def store_wait(c, b):
        pltpu.make_async_copy(
            bufs_v.at[b],
            out_hbm.at[pl.ds(base + c * _CHUNK, _CHUNK), pl.ds(0, EMSIZE)],
            ssem.at[b]).wait()

    for p in range(_PREF):
        prefill_start(p, p)
    prefill_start(_PREF, _PREF % _NBUF)
    for p in range(_PREF):
        prefill_wait(p, p)
        gather_start(p, p)

    @pl.loop(0, _NCHUNK, step=_NBUF)
    def chunk_loop(c0):
        for j in range(_NBUF):
            c = c0 + j

            cp = c + _PREF + 1
            bp = (j + _PREF + 1) % _NBUF

            @pl.when(jnp.logical_and(cp >= _NBUF, cp < _NCHUNK))
            def _():
                store_wait(cp - _NBUF, bp)

            @pl.when(cp < _NCHUNK)
            def _():
                prefill_start(cp, bp)

            cn = c + _PREF
            bn = (j + _PREF) % _NBUF

            @pl.when(cn < _NCHUNK)
            def _():
                prefill_wait(cn, bn)
                gather_start(cn, bn)

            gather_wait(c, j)
            store_start(c, j)

    for j in range(_NBUF):
        store_wait(_NCHUNK - _NBUF + j, j)


@jax.jit
def _embed(seq_r, word_table, pos2):
    mesh = plsc.VectorSubcoreMesh(core_axis_name="c", subcore_axis_name="s")
    k = pl.kernel(
        _sc_body,
        out_type=jax.ShapeDtypeStruct((_ROWS, 128), jnp.float32),
        mesh=mesh,
        compiler_params=pltpu.CompilerParams(use_tc_tiling_on_sc=False),
        scratch_types=[
            pltpu.VMEM((_NCHUNK, _CHUNK), jnp.int32),
            pltpu.VMEM_SHARED((_POSREP * SEQ, EMSIZE), jnp.float32),
            pltpu.VMEM((_NBUF, _CHUNK, EMSIZE), jnp.float32),
            pltpu.SemaphoreType.DMA((_NBUF,)),
            pltpu.SemaphoreType.DMA((_NBUF,)),
            pltpu.SemaphoreType.DMA((_NBUF,)),
        ],
    )
    return k(seq_r, word_table, pos2)


def kernel(sequence, word_table, pos_table):
    seq_r = (2 * sequence.astype(jnp.int32)).reshape(_NW, _NCHUNK, _CHUNK)
    word2 = jnp.pad(word_table, ((0, 0), (0, EMSIZE))).reshape(
        2 * VOCAB, EMSIZE)
    pos2 = jnp.concatenate([pos_table] * _POSREP, axis=0)
    out = _embed(seq_r, word2, pos2)
    return out[:, :EMSIZE].reshape(BATCH, SEQ, EMSIZE)

# --- scband reference (transcript-rebuilt; emitter-appended) ---
"""Pipeline reference for scband-embedder-24773371364034 (READ-ONLY COPY).

The authoritative reference and input builder live on the scoring server;
editing this copy changes nothing except your own understanding.
"""

import jax, jax.numpy as jnp
import numpy as np

VOCAB = 1000000
EMSIZE = 64
MAX_SRC_LEN = 200
BATCH = 4096
SEQ = 200


def setup_inputs(seed: int = 0) -> dict:
    key = jax.random.key(seed)
    k1, k2, k3 = jax.random.split(key, 3)
    sequence = jax.random.randint(k1, (BATCH, SEQ), 0, VOCAB, dtype=jnp.int64 if jax.config.jax_enable_x64 else jnp.int32)
    word_table = jax.random.normal(k2, (VOCAB, EMSIZE), dtype=jnp.float32) * 0.02
    # padding_idx = 0 -> zero row, matching nn.Embedding(padding_idx=PAD)
    word_table = word_table.at[0].set(0.0)
    pos_table = jax.random.normal(k3, (MAX_SRC_LEN, EMSIZE), dtype=jnp.float32) * 0.02
    return {"sequence": sequence, "word_table": word_table, "pos_table": pos_table}


def reference(sequence, word_table, pos_table):
    # mode='encoder': word embedding lookup + absolute positional embedding
    # (src_pos_emb=True and no_relative_pos=True). Dropout is identity in eval.
    word_rep = jnp.take(word_table, sequence, axis=0)  # [B, L, E]
    L = word_rep.shape[1]
    pos_enc = jnp.arange(L)  # [L]
    pos_rep = jnp.take(pos_table, pos_enc, axis=0)  # [L, E]
    word_rep = word_rep + pos_rep[None, :, :]
    return word_rep

if __name__ == "__main__":
    import jax
    _d = setup_inputs()
    print(jax.jit(kernel)(*tuple(_d.values())))

</pallas_src>

<mosaic_0001>
#map = affine_map<(d0, d1) -> (0, 0, 0)>
#map1 = affine_map<(d0, d1) -> (0, 0)>
module attributes {stable_mosaic.version = 14 : i64} {
  func.func @_sc_body(%arg0: i32, %arg1: i32, %arg2: memref<32x100x256xi32, #tpu.memory_space<hbm>>, %arg3: memref<2000000x64xf32, #tpu.memory_space<hbm>>, %arg4: memref<600x64xf32, #tpu.memory_space<hbm>>, %arg5: memref<819200x128xf32, #tpu.memory_space<hbm>>, %arg6: memref<100x256xi32, #tpu.memory_space<vmem>>, %arg7: memref<600x64xf32, #tpu.memory_space<vmem_shared>>, %arg8: memref<5x256x64xf32, #tpu.memory_space<vmem>>, %arg9: memref<5x!tpu.dma_semaphore, #tpu.memory_space<semaphore_mem>>, %arg10: memref<5x!tpu.dma_semaphore, #tpu.memory_space<semaphore_mem>>, %arg11: memref<5x!tpu.dma_semaphore, #tpu.memory_space<semaphore_mem>>) attributes {dimension_semantics = [#tpu.dimension_semantics<core_parallel>, #tpu.dimension_semantics<subcore_parallel>], iteration_bounds = array<i64: 2, 16>, scalar_prefetch = 0 : i64, scratch_operands = 6 : i64, tpu.core_type = #tpu.core_type<sc_vector_subcore>, window_params = [{transform_indices = #map}, {transform_indices = #map1}, {transform_indices = #map1}, {transform_indices = #map1}]} {
    %mul3A = arith.constant 2 : i32
    %mul3A_0 = arith.muli %arg1, %mul3A : i32
    %add3A = arith.addi %mul3A_0, %arg0 : i32
    "tpu.region"() ({
      %run_scoped3A = tpu.sem_alloc : memref<!tpu.dma_semaphore, #tpu.memory_space<semaphore_mem>>
      %dma_start3A_268 = arith.constant 0 : i32
      %dma_start3A_269 = arith.constant 0 : i32
      %dma_start3A_270 = tpu.memref_slice %arg2[%add3A, %dma_start3A_268, %dma_start3A_269] : memref<32x100x256xi32, #tpu.memory_space<hbm>> -> memref<1x100x256xi32, #tpu.memory_space<hbm>>
      %dma_start3A_271 = tpu.memref_squeeze %dma_start3A_270 : memref<1x100x256xi32, #tpu.memory_space<hbm>> -> memref<100x256xi32, #tpu.memory_space<hbm>>
      %dma_start3A_272 = arith.constant 0 : i32
      %dma_start3A_273 = arith.constant 0 : i32
      %dma_start3A_274 = tpu.memref_slice %arg2[%add3A, %dma_start3A_272, %dma_start3A_273] : memref<32x100x256xi32, #tpu.memory_space<hbm>> -> memref<1x100x256xi32, #tpu.memory_space<hbm>>
      %dma_start3A_275 = tpu.memref_squeeze %dma_start3A_274 : memref<1x100x256xi32, #tpu.memory_space<hbm>> -> memref<100x256xi32, #tpu.memory_space<hbm>>
      tpu.enqueue_dma source(%dma_start3A_275 : memref<100x256xi32, #tpu.memory_space<hbm>>) target(%arg6 : memref<100x256xi32, #tpu.memory_space<vmem>>) target_semaphore(%run_scoped3A : memref<!tpu.dma_semaphore, #tpu.memory_space<semaphore_mem>>)
      %dma_wait3A_276 = arith.constant 0 : i32
      %dma_wait3A_277 = arith.constant 0 : i32
      %dma_wait3A_278 = tpu.memref_slice %arg2[%add3A, %dma_wait3A_276, %dma_wait3A_277] : memref<32x100x256xi32, #tpu.memory_space<hbm>> -> memref<1x100x256xi32, #tpu.memory_space<hbm>>
      %dma_wait3A_279 = tpu.memref_squeeze %dma_wait3A_278 : memref<1x100x256xi32, #tpu.memory_space<hbm>> -> memref<100x256xi32, #tpu.memory_space<hbm>>
      %dma_wait3A_280 = arith.constant 0 : i32
      %dma_wait3A_281 = arith.constant 0 : i32
      %dma_wait3A_282 = tpu.memref_slice %arg2[%add3A, %dma_wait3A_280, %dma_wait3A_281] : memref<32x100x256xi32, #tpu.memory_space<hbm>> -> memref<1x100x256xi32, #tpu.memory_space<hbm>>
      %dma_wait3A_283 = tpu.memref_squeeze %dma_wait3A_282 : memref<1x100x256xi32, #tpu.memory_space<hbm>> -> memref<100x256xi32, #tpu.memory_space<hbm>>
      tpu.wait_dma2 semaphore(%run_scoped3A : memref<!tpu.dma_semaphore, #tpu.memory_space<semaphore_mem>>) src(%dma_wait3A_283 : memref<100x256xi32, #tpu.memory_space<hbm>>) dst(%arg6 : memref<100x256xi32, #tpu.memory_space<vmem>>)
      tpu.yield
    }) : () -> ()
    %eq3A = arith.constant 0 : i32
    %eq3A_1 = arith.cmpi eq, %arg1, %eq3A : i32
    %convert_element_type3A = arith.extui %eq3A_1 : i1 to i32
    %cond3A = arith.constant 0 : i32
    %cond3A_2 = arith.cmpi ne, %convert_element_type3A, %cond3A : i32
    scf.if %cond3A_2 {
      "tpu.region"() ({
        %run_scoped3A = tpu.sem_alloc : memref<!tpu.dma_semaphore, #tpu.memory_space<semaphore_mem>>
        tpu.enqueue_dma source(%arg4 : memref<600x64xf32, #tpu.memory_space<hbm>>) target(%arg7 : memref<600x64xf32, #tpu.memory_space<vmem_shared>>) target_semaphore(%run_scoped3A : memref<!tpu.dma_semaphore, #tpu.memory_space<semaphore_mem>>)
        tpu.wait_dma2 semaphore(%run_scoped3A : memref<!tpu.dma_semaphore, #tpu.memory_space<semaphore_mem>>) src(%arg4 : memref<600x64xf32, #tpu.memory_space<hbm>>) dst(%arg7 : memref<600x64xf32, #tpu.memory_space<vmem_shared>>)
        tpu.yield
      }) : () -> ()
    } else {
    }
    %barrier3A = arith.constant 0 : index
    tpu.barrier barrier_id(%barrier3A)
    %mul3A_3 = arith.constant 25600 : i32
    %mul3A_4 = arith.muli %add3A, %mul3A_3 : i32
    %dma_start3A = arith.constant 0 : i32
    %dma_start3A_5 = arith.constant 0 : i32
    %dma_start3A_6 = arith.constant 0 : i32
    %dma_start3A_7 = arith.constant 0 : i32
    %dma_start3A_8 = tpu.memref_slice %arg8[%dma_start3A, %dma_start3A_6, %dma_start3A_7] : memref<5x256x64xf32, #tpu.memory_space<vmem>> -> memref<1x256x64xf32, #tpu.memory_space<vmem>>
    %dma_start3A_9 = tpu.memref_squeeze %dma_start3A_8 : memref<1x256x64xf32, #tpu.memory_space<vmem>> -> memref<256x64xf32, #tpu.memory_space<vmem>>
    %dma_start3A_10 = arith.constant 0 : i32
    %dma_start3A_11 = arith.constant 0 : i32
    %dma_start3A_12 = tpu.memref_slice %arg7[%dma_start3A_10, %dma_start3A_11] : memref<600x64xf32, #tpu.memory_space<vmem_shared>> -> memref<256x64xf32, #tpu.memory_space<vmem_shared>>
    %dma_start3A_13 = tpu.memref_slice %arg11[%dma_start3A_5] : memref<5x!tpu.dma_semaphore, #tpu.memory_space<semaphore_mem>> -> memref<1x!tpu.dma_semaphore, #tpu.memory_space<semaphore_mem>>
    %dma_start3A_14 = tpu.memref_squeeze %dma_start3A_13 : memref<1x!tpu.dma_semaphore, #tpu.memory_space<semaphore_mem>> -> memref<!tpu.dma_semaphore, #tpu.memory_space<semaphore_mem>>
    %dma_start3A_15 = arith.constant 0 : i32
    %dma_start3A_16 = arith.constant 0 : i32
    %dma_start3A_17 = tpu.memref_slice %arg8[%dma_start3A, %dma_start3A_15, %dma_start3A_16] : memref<5x256x64xf32, #tpu.memory_space<vmem>> -> memref<1x256x64xf32, #tpu.memory_space<vmem>>
    %dma_start3A_18 = tpu.memref_squeeze %dma_start3A_17 : memref<1x256x64xf32, #tpu.memory_space<vmem>> -> memref<256x64xf32, #tpu.memory_space<vmem>>
    %dma_start3A_19 = arith.constant 0 : i32
    %dma_start3A_20 = arith.constant 0 : i32
    %dma_start3A_21 = tpu.memref_slice %arg7[%dma_start3A_19, %dma_start3A_20] : memref<600x64xf32, #tpu.memory_space<vmem_shared>> -> memref<256x64xf32, #tpu.memory_space<vmem_shared>>
    tpu.enqueue_dma source(%dma_start3A_21 : memref<256x64xf32, #tpu.memory_space<vmem_shared>>) target(%dma_start3A_18 : memref<256x64xf32, #tpu.memory_space<vmem>>) target_semaphore(%dma_start3A_14 : memref<!tpu.dma_semaphore, #tpu.memory_space<semaphore_mem>>)
    %dma_start3A_22 = arith.constant 1 : i32
    %dma_start3A_23 = arith.constant 1 : i32
    %dma_start3A_24 = arith.constant 0 : i32
    %dma_start3A_25 = arith.constant 0 : i32
    %dma_start3A_26 = tpu.memref_slice %arg8[%dma_start3A_22, %dma_start3A_24, %dma_start3A_25] : memref<5x256x64xf32, #tpu.memory_space<vmem>> -> memref<1x256x64xf32, #tpu.memory_space<vmem>>
    %dma_start3A_27 = tpu.memref_squeeze %dma_start3A_26 : memref<1x256x64xf32, #tpu.memory_space<vmem>> -> memref<256x64xf32, #tpu.memory_space<vmem>>
    %dma_start3A_28 = arith.constant 56 : i32
    %dma_start3A_29 = arith.constant 0 : i32
    %dma_start3A_30 = tpu.memref_slice %arg7[%dma_start3A_28, %dma_start3A_29] : memref<600x64xf32, #tpu.memory_space<vmem_shared>> -> memref<256x64xf32, #tpu.memory_space<vmem_shared>>
    %dma_start3A_31 = tpu.memref_slice %arg11[%dma_start3A_23] : memref<5x!tpu.dma_semaphore, #tpu.memory_space<semaphore_mem>> -> memref<1x!tpu.dma_semaphore, #tpu.memory_space<semaphore_mem>>
    %dma_start3A_32 = tpu.memref_squeeze %dma_start3A_31 : memref<1x!tpu.dma_semaphore, #tpu.memory_space<semaphore_mem>> -> memref<!tpu.dma_semaphore, #tpu.memory_space<semaphore_mem>>
    %dma_start3A_33 = arith.constant 0 : i32
    %dma_start3A_34 = arith.constant 0 : i32
    %dma_start3A_35 = tpu.memref_slice %arg8[%dma_start3A_22, %dma_start3A_33, %dma_start3A_34] : memref<5x256x64xf32, #tpu.memory_space<vmem>> -> memref<1x256x64xf32, #tpu.memory_space<vmem>>
    %dma_start3A_36 = tpu.memref_squeeze %dma_start3A_35 : memref<1x256x64xf32, #tpu.memory_space<vmem>> -> memref<256x64xf32, #tpu.memory_space<vmem>>
    %dma_start3A_37 = arith.constant 56 : i32
    %dma_start3A_38 = arith.constant 0 : i32
    %dma_start3A_39 = tpu.memref_slice %arg7[%dma_start3A_37, %dma_start3A_38] : memref<600x64xf32, #tpu.memory_space<vmem_shared>> -> memref<256x64xf32, #tpu.memory_space<vmem_shared>>
    tpu.enqueue_dma source(%dma_start3A_39 : memref<256x64xf32, #tpu.memory_space<vmem_shared>>) target(%dma_start3A_36 : memref<256x64xf32, #tpu.memory_space<vmem>>) target_semaphore(%dma_start3A_32 : memref<!tpu.dma_semaphore, #tpu.memory_space<semaphore_mem>>)
    %dma_start3A_40 = arith.constant 2 : i32
    %dma_start3A_41 = arith.constant 2 : i32
    %dma_start3A_42 = arith.constant 0 : i32
    %dma_start3A_43 = arith.constant 0 : i32
    %dma_start3A_44 = tpu.memref_slice %arg8[%dma_start3A_40, %dma_start3A_42, %dma_start3A_43] : memref<5x256x64xf32, #tpu.memory_space<vmem>> -> memref<1x256x64xf32, #tpu.memory_space<vmem>>
    %dma_start3A_45 = tpu.memref_squeeze %dma_start3A_44 : memref<1x256x64xf32, #tpu.memory_space<vmem>> -> memref<256x64xf32, #tpu.memory_space<vmem>>
    %dma_start3A_46 = arith.constant 112 : i32
    %dma_start3A_47 = arith.constant 0 : i32
    %dma_start3A_48 = tpu.memref_slice %arg7[%dma_start3A_46, %dma_start3A_47] : memref<600x64xf32, #tpu.memory_space<vmem_shared>> -> memref<256x64xf32, #tpu.memory_space<vmem_shared>>
    %dma_start3A_49 = tpu.memref_slice %arg11[%dma_start3A_41] : memref<5x!tpu.dma_semaphore, #tpu.memory_space<semaphore_mem>> -> memref<1x!tpu.dma_semaphore, #tpu.memory_space<semaphore_mem>>
    %dma_start3A_50 = tpu.memref_squeeze %dma_start3A_49 : memref<1x!tpu.dma_semaphore, #tpu.memory_space<semaphore_mem>> -> memref<!tpu.dma_semaphore, #tpu.memory_space<semaphore_mem>>
    %dma_start3A_51 = arith.constant 0 : i32
    %dma_start3A_52 = arith.constant 0 : i32
    %dma_start3A_53 = tpu.memref_slice %arg8[%dma_start3A_40, %dma_start3A_51, %dma_start3A_52] : memref<5x256x64xf32, #tpu.memory_space<vmem>> -> memref<1x256x64xf32, #tpu.memory_space<vmem>>
    %dma_start3A_54 = tpu.memref_squeeze %dma_start3A_53 : memref<1x256x64xf32, #tpu.memory_space<vmem>> -> memref<256x64xf32, #tpu.memory_space<vmem>>
    %dma_start3A_55 = arith.constant 112 : i32
    %dma_start3A_56 = arith.constant 0 : i32
    %dma_start3A_57 = tpu.memref_slice %arg7[%dma_start3A_55, %dma_start3A_56] : memref<600x64xf32, #tpu.memory_space<vmem_shared>> -> memref<256x64xf32, #tpu.memory_space<vmem_shared>>
    tpu.enqueue_dma source(%dma_start3A_57 : memref<256x64xf32, #tpu.memory_space<vmem_shared>>) target(%dma_start3A_54 : memref<256x64xf32, #tpu.memory_space<vmem>>) target_semaphore(%dma_start3A_50 : memref<!tpu.dma_semaphore, #tpu.memory_space<semaphore_mem>>)
    %dma_start3A_58 = arith.constant 3 : i32
    %dma_start3A_59 = arith.constant 3 : i32
    %dma_start3A_60 = arith.constant 0 : i32
    %dma_start3A_61 = arith.constant 0 : i32
    %dma_start3A_62 = tpu.memref_slice %arg8[%dma_start3A_58, %dma_start3A_60, %dma_start3A_61] : memref<5x256x64xf32, #tpu.memory_space<vmem>> -> memref<1x256x64xf32, #tpu.memory_space<vmem>>
    %dma_start3A_63 = tpu.memref_squeeze %dma_start3A_62 : memref<1x256x64xf32, #tpu.memory_space<vmem>> -> memref<256x64xf32, #tpu.memory_space<vmem>>
    %dma_start3A_64 = arith.constant 168 : i32
    %dma_start3A_65 = arith.constant 0 : i32
    %dma_start3A_66 = tpu.memref_slice %arg7[%dma_start3A_64, %dma_start3A_65] : memref<600x64xf32, #tpu.memory_space<vmem_shared>> -> memref<256x64xf32, #tpu.memory_space<vmem_shared>>
    %dma_start3A_67 = tpu.memref_slice %arg11[%dma_start3A_59] : memref<5x!tpu.dma_semaphore, #tpu.memory_space<semaphore_mem>> -> memref<1x!tpu.dma_semaphore, #tpu.memory_space<semaphore_mem>>
    %dma_start3A_68 = tpu.memref_squeeze %dma_start3A_67 : memref<1x!tpu.dma_semaphore, #tpu.memory_space<semaphore_mem>> -> memref<!tpu.dma_semaphore, #tpu.memory_space<semaphore_mem>>
    %dma_start3A_69 = arith.constant 0 : i32
    %dma_start3A_70 = arith.constant 0 : i32
    %dma_start3A_71 = tpu.memref_slice %arg8[%dma_start3A_58, %dma_start3A_69, %dma_start3A_70] : memref<5x256x64xf32, #tpu.memory_space<vmem>> -> memref<1x256x64xf32, #tpu.memory_space<vmem>>
    %dma_start3A_72 = tpu.memref_squeeze %dma_start3A_71 : memref<1x256x64xf32, #tpu.memory_space<vmem>> -> memref<256x64xf32, #tpu.memory_space<vmem>>
    %dma_start3A_73 = arith.constant 168 : i32
    %dma_start3A_74 = arith.constant 0 : i32
    %dma_start3A_75 = tpu.memref_slice %arg7[%dma_start3A_73, %dma_start3A_74] : memref<600x64xf32, #tpu.memory_space<vmem_shared>> -> memref<256x64xf32, #tpu.memory_space<vmem_shared>>
    tpu.enqueue_dma source(%dma_start3A_75 : memref<256x64xf32, #tpu.memory_space<vmem_shared>>) target(%dma_start3A_72 : memref<256x64xf32, #tpu.memory_space<vmem>>) target_semaphore(%dma_start3A_68 : memref<!tpu.dma_semaphore, #tpu.memory_space<semaphore_mem>>)
    %dma_wait3A = arith.constant 0 : i32
    %dma_wait3A_76 = arith.constant 0 : i32
    %dma_wait3A_77 = arith.constant 0 : i32
    %dma_wait3A_78 = arith.constant 0 : i32
    %dma_wait3A_79 = tpu.memref_slice %arg8[%dma_wait3A, %dma_wait3A_77, %dma_wait3A_78] : memref<5x256x64xf32, #tpu.memory_space<vmem>> -> memref<1x256x64xf32, #tpu.memory_space<vmem>>
    %dma_wait3A_80 = tpu.memref_squeeze %dma_wait3A_79 : memref<1x256x64xf32, #tpu.memory_space<vmem>> -> memref<256x64xf32, #tpu.memory_space<vmem>>
    %dma_wait3A_81 = arith.constant 0 : i32
    %dma_wait3A_82 = arith.constant 0 : i32
    %dma_wait3A_83 = tpu.memref_slice %arg7[%dma_wait3A_81, %dma_wait3A_82] : memref<600x64xf32, #tpu.memory_space<vmem_shared>> -> memref<256x64xf32, #tpu.memory_space<vmem_shared>>
    %dma_wait3A_84 = tpu.memref_slice %arg11[%dma_wait3A_76] : memref<5x!tpu.dma_semaphore, #tpu.memory_space<semaphore_mem>> -> memref<1x!tpu.dma_semaphore, #tpu.memory_space<semaphore_mem>>
    %dma_wait3A_85 = tpu.memref_squeeze %dma_wait3A_84 : memref<1x!tpu.dma_semaphore, #tpu.memory_space<semaphore_mem>> -> memref<!tpu.dma_semaphore, #tpu.memory_space<semaphore_mem>>
    %dma_wait3A_86 = arith.constant 0 : i32
    %dma_wait3A_87 = arith.constant 0 : i32
    %dma_wait3A_88 = tpu.memref_slice %arg8[%dma_wait3A, %dma_wait3A_86, %dma_wait3A_87] : memref<5x256x64xf32, #tpu.memory_space<vmem>> -> memref<1x256x64xf32, #tpu.memory_space<vmem>>
    %dma_wait3A_89 = tpu.memref_squeeze %dma_wait3A_88 : memref<1x256x64xf32, #tpu.memory_space<vmem>> -> memref<256x64xf32, #tpu.memory_space<vmem>>
    %dma_wait3A_90 = arith.constant 0 : i32
    %dma_wait3A_91 = arith.constant 0 : i32
    %dma_wait3A_92 = tpu.memref_slice %arg7[%dma_wait3A_90, %dma_wait3A_91] : memref<600x64xf32, #tpu.memory_space<vmem_shared>> -> memref<256x64xf32, #tpu.memory_space<vmem_shared>>
    tpu.wait_dma2 semaphore(%dma_wait3A_85 : memref<!tpu.dma_semaphore, #tpu.memory_space<semaphore_mem>>) src(%dma_wait3A_92 : memref<256x64xf32, #tpu.memory_space<vmem_shared>>) dst(%dma_wait3A_89 : memref<256x64xf32, #tpu.memory_space<vmem>>)
    %dma_start3A_93 = arith.constant 0 : i32
    %dma_start3A_94 = arith.constant 0 : i32
    %dma_start3A_95 = arith.constant 0 : i32
    %dma_start3A_96 = arith.constant 0 : i32
    %dma_start3A_97 = arith.constant 0 : i32
    %dma_start3A_98 = tpu.memref_slice %arg8[%dma_start3A_94, %dma_start3A_96, %dma_start3A_97] : memref<5x256x64xf32, #tpu.memory_space<vmem>> -> memref<1x256x64xf32, #tpu.memory_space<vmem>>
    %dma_start3A_99 = tpu.memref_squeeze %dma_start3A_98 : memref<1x256x64xf32, #tpu.memory_space<vmem>> -> memref<256x64xf32, #tpu.memory_space<vmem>>
    %dma_start3A_100 = arith.constant 0 : i32
    %dma_start3A_101 = tpu.memref_slice %arg6[%dma_start3A_93, %dma_start3A_100] : memref<100x256xi32, #tpu.memory_space<vmem>> -> memref<1x256xi32, #tpu.memory_space<vmem>>
    %dma_start3A_102 = tpu.memref_squeeze %dma_start3A_101 : memref<1x256xi32, #tpu.memory_space<vmem>> -> memref<256xi32, #tpu.memory_space<vmem>>
    %dma_start3A_103 = arith.constant 0 : i32
    %dma_start3A_104 = arith.constant 0 : i32
    %dma_start3A_105 = tpu.memref_slice %arg3[%dma_start3A_103, %dma_start3A_104] : memref<2000000x64xf32, #tpu.memory_space<hbm>> -> memref<2000000x64xf32, #tpu.memory_space<hbm>>
    %dma_start3A_106 = tpu.memref_slice %arg9[%dma_start3A_95] : memref<5x!tpu.dma_semaphore, #tpu.memory_space<semaphore_mem>> -> memref<1x!tpu.dma_semaphore, #tpu.memory_space<semaphore_mem>>
    %dma_start3A_107 = tpu.memref_squeeze %dma_start3A_106 : memref<1x!tpu.dma_semaphore, #tpu.memory_space<semaphore_mem>> -> memref<!tpu.dma_semaphore, #tpu.memory_space<semaphore_mem>>
    tpu.enqueue_indirect_dma source(%dma_start3A_105 : memref<2000000x64xf32, #tpu.memory_space<hbm>>) target(%dma_start3A_99 : memref<256x64xf32, #tpu.memory_space<vmem>>) offsets(%dma_start3A_102 : memref<256xi32, #tpu.memory_space<vmem>>) semaphore(%dma_start3A_107 : memref<!tpu.dma_semaphore, #tpu.memory_space<semaphore_mem>>) {add = true}
    %dma_wait3A_108 = arith.constant 1 : i32
    %dma_wait3A_109 = arith.constant 1 : i32
    %dma_wait3A_110 = arith.constant 0 : i32
    %dma_wait3A_111 = arith.constant 0 : i32
    %dma_wait3A_112 = tpu.memref_slice %arg8[%dma_wait3A_108, %dma_wait3A_110, %dma_wait3A_111] : memref<5x256x64xf32, #tpu.memory_space<vmem>> -> memref<1x256x64xf32, #tpu.memory_space<vmem>>
    %dma_wait3A_113 = tpu.memref_squeeze %dma_wait3A_112 : memref<1x256x64xf32, #tpu.memory_space<vmem>> -> memref<256x64xf32, #tpu.memory_space<vmem>>
    %dma_wait3A_114 = arith.constant 56 : i32
    %dma_wait3A_115 = arith.constant 0 : i32
    %dma_wait3A_116 = tpu.memref_slice %arg7[%dma_wait3A_114, %dma_wait3A_115] : memref<600x64xf32, #tpu.memory_space<vmem_shared>> -> memref<256x64xf32, #tpu.memory_space<vmem_shared>>
    %dma_wait3A_117 = tpu.memref_slice %arg11[%dma_wait3A_109] : memref<5x!tpu.dma_semaphore, #tpu.memory_space<semaphore_mem>> -> memref<1x!tpu.dma_semaphore, #tpu.memory_space<semaphore_mem>>
    %dma_wait3A_118 = tpu.memref_squeeze %dma_wait3A_117 : memref<1x!tpu.dma_semaphore, #tpu.memory_space<semaphore_mem>> -> memref<!tpu.dma_semaphore, #tpu.memory_space<semaphore_mem>>
    %dma_wait3A_119 = arith.constant 0 : i32
    %dma_wait3A_120 = arith.constant 0 : i32
    %dma_wait3A_121 = tpu.memref_slice %arg8[%dma_wait3A_108, %dma_wait3A_119, %dma_wait3A_120] : memref<5x256x64xf32, #tpu.memory_space<vmem>> -> memref<1x256x64xf32, #tpu.memory_space<vmem>>
    %dma_wait3A_122 = tpu.memref_squeeze %dma_wait3A_121 : memref<1x256x64xf32, #tpu.memory_space<vmem>> -> memref<256x64xf32, #tpu.memory_space<vmem>>
    %dma_wait3A_123 = arith.constant 56 : i32
    %dma_wait3A_124 = arith.constant 0 : i32
    %dma_wait3A_125 = tpu.memref_slice %arg7[%dma_wait3A_123, %dma_wait3A_124] : memref<600x64xf32, #tpu.memory_space<vmem_shared>> -> memref<256x64xf32, #tpu.memory_space<vmem_shared>>
    tpu.wait_dma2 semaphore(%dma_wait3A_118 : memref<!tpu.dma_semaphore, #tpu.memory_space<semaphore_mem>>) src(%dma_wait3A_125 : memref<256x64xf32, #tpu.memory_space<vmem_shared>>) dst(%dma_wait3A_122 : memref<256x64xf32, #tpu.memory_space<vmem>>)
    %dma_start3A_126 = arith.constant 1 : i32
    %dma_start3A_127 = arith.constant 1 : i32
    %dma_start3A_128 = arith.constant 1 : i32
    %dma_start3A_129 = arith.constant 0 : i32
    %dma_start3A_130 = arith.constant 0 : i32
    %dma_start3A_131 = tpu.memref_slice %arg8[%dma_start3A_127, %dma_start3A_129, %dma_start3A_130] : memref<5x256x64xf32, #tpu.memory_space<vmem>> -> memref<1x256x64xf32, #tpu.memory_space<vmem>>
    %dma_start3A_132 = tpu.memref_squeeze %dma_start3A_131 : memref<1x256x64xf32, #tpu.memory_space<vmem>> -> memref<256x64xf32, #tpu.memory_space<vmem>>
    %dma_start3A_133 = arith.constant 0 : i32
    %dma_start3A_134 = tpu.memref_slice %arg6[%dma_start3A_126, %dma_start3A_133] : memref<100x256xi32, #tpu.memory_space<vmem>> -> memref<1x256xi32, #tpu.memory_space<vmem>>
    %dma_start3A_135 = tpu.memref_squeeze %dma_start3A_134 : memref<1x256xi32, #tpu.memory_space<vmem>> -> memref<256xi32, #tpu.memory_space<vmem>>
    %dma_start3A_136 = arith.constant 0 : i32
    %dma_start3A_137 = arith.constant 0 : i32
    %dma_start3A_138 = tpu.memref_slice %arg3[%dma_start3A_136, %dma_start3A_137] : memref<2000000x64xf32, #tpu.memory_space<hbm>> -> memref<2000000x64xf32, #tpu.memory_space<hbm>>
    %dma_start3A_139 = tpu.memref_slice %arg9[%dma_start3A_128] : memref<5x!tpu.dma_semaphore, #tpu.memory_space<semaphore_mem>> -> memref<1x!tpu.dma_semaphore, #tpu.memory_space<semaphore_mem>>
    %dma_start3A_140 = tpu.memref_squeeze %dma_start3A_139 : memref<1x!tpu.dma_semaphore, #tpu.memory_space<semaphore_mem>> -> memref<!tpu.dma_semaphore, #tpu.memory_space<semaphore_mem>>
    tpu.enqueue_indirect_dma source(%dma_start3A_138 : memref<2000000x64xf32, #tpu.memory_space<hbm>>) target(%dma_start3A_132 : memref<256x64xf32, #tpu.memory_space<vmem>>) offsets(%dma_start3A_135 : memref<256xi32, #tpu.memory_space<vmem>>) semaphore(%dma_start3A_140 : memref<!tpu.dma_semaphore, #tpu.memory_space<semaphore_mem>>) {add = true}
    %dma_wait3A_141 = arith.constant 2 : i32
    %dma_wait3A_142 = arith.constant 2 : i32
    %dma_wait3A_143 = arith.constant 0 : i32
    %dma_wait3A_144 = arith.constant 0 : i32
    %dma_wait3A_145 = tpu.memref_slice %arg8[%dma_wait3A_141, %dma_wait3A_143, %dma_wait3A_144] : memref<5x256x64xf32, #tpu.memory_space<vmem>> -> memref<1x256x64xf32, #tpu.memory_space<vmem>>
    %dma_wait3A_146 = tpu.memref_squeeze %dma_wait3A_145 : memref<1x256x64xf32, #tpu.memory_space<vmem>> -> memref<256x64xf32, #tpu.memory_space<vmem>>
    %dma_wait3A_147 = arith.constant 112 : i32
    %dma_wait3A_148 = arith.constant 0 : i32
    %dma_wait3A_149 = tpu.memref_slice %arg7[%dma_wait3A_147, %dma_wait3A_148] : memref<600x64xf32, #tpu.memory_space<vmem_shared>> -> memref<256x64xf32, #tpu.memory_space<vmem_shared>>
    %dma_wait3A_150 = tpu.memref_slice %arg11[%dma_wait3A_142] : memref<5x!tpu.dma_semaphore, #tpu.memory_space<semaphore_mem>> -> memref<1x!tpu.dma_semaphore, #tpu.memory_space<semaphore_mem>>
    %dma_wait3A_151 = tpu.memref_squeeze %dma_wait3A_150 : memref<1x!tpu.dma_semaphore, #tpu.memory_space<semaphore_mem>> -> memref<!tpu.dma_semaphore, #tpu.memory_space<semaphore_mem>>
    %dma_wait3A_152 = arith.constant 0 : i32
    %dma_wait3A_153 = arith.constant 0 : i32
    %dma_wait3A_154 = tpu.memref_slice %arg8[%dma_wait3A_141, %dma_wait3A_152, %dma_wait3A_153] : memref<5x256x64xf32, #tpu.memory_space<vmem>> -> memref<1x256x64xf32, #tpu.memory_space<vmem>>
    %dma_wait3A_155 = tpu.memref_squeeze %dma_wait3A_154 : memref<1x256x64xf32, #tpu.memory_space<vmem>> -> memref<256x64xf32, #tpu.memory_space<vmem>>
    %dma_wait3A_156 = arith.constant 112 : i32
    %dma_wait3A_157 = arith.constant 0 : i32
    %dma_wait3A_158 = tpu.memref_slice %arg7[%dma_wait3A_156, %dma_wait3A_157] : memref<600x64xf32, #tpu.memory_space<vmem_shared>> -> memref<256x64xf32, #tpu.memory_space<vmem_shared>>
    tpu.wait_dma2 semaphore(%dma_wait3A_151 : memref<!tpu.dma_semaphore, #tpu.memory_space<semaphore_mem>>) src(%dma_wait3A_158 : memref<256x64xf32, #tpu.memory_space<vmem_shared>>) dst(%dma_wait3A_155 : memref<256x64xf32, #tpu.memory_space<vmem>>)
    %dma_start3A_159 = arith.constant 2 : i32
    %dma_start3A_160 = arith.constant 2 : i32
    %dma_start3A_161 = arith.constant 2 : i32
    %dma_start3A_162 = arith.constant 0 : i32
    %dma_start3A_163 = arith.constant 0 : i32
    %dma_start3A_164 = tpu.memref_slice %arg8[%dma_start3A_160, %dma_start3A_162, %dma_start3A_163] : memref<5x256x64xf32, #tpu.memory_space<vmem>> -> memref<1x256x64xf32, #tpu.memory_space<vmem>>
    %dma_start3A_165 = tpu.memref_squeeze %dma_start3A_164 : memref<1x256x64xf32, #tpu.memory_space<vmem>> -> memref<256x64xf32, #tpu.memory_space<vmem>>
    %dma_start3A_166 = arith.constant 0 : i32
    %dma_start3A_167 = tpu.memref_slice %arg6[%dma_start3A_159, %dma_start3A_166] : memref<100x256xi32, #tpu.memory_space<vmem>> -> memref<1x256xi32, #tpu.memory_space<vmem>>
    %dma_start3A_168 = tpu.memref_squeeze %dma_start3A_167 : memref<1x256xi32, #tpu.memory_space<vmem>> -> memref<256xi32, #tpu.memory_space<vmem>>
    %dma_start3A_169 = arith.constant 0 : i32
    %dma_start3A_170 = arith.constant 0 : i32
    %dma_start3A_171 = tpu.memref_slice %arg3[%dma_start3A_169, %dma_start3A_170] : memref<2000000x64xf32, #tpu.memory_space<hbm>> -> memref<2000000x64xf32, #tpu.memory_space<hbm>>
    %dma_start3A_172 = tpu.memref_slice %arg9[%dma_start3A_161] : memref<5x!tpu.dma_semaphore, #tpu.memory_space<semaphore_mem>> -> memref<1x!tpu.dma_semaphore, #tpu.memory_space<semaphore_mem>>
    %dma_start3A_173 = tpu.memref_squeeze %dma_start3A_172 : memref<1x!tpu.dma_semaphore, #tpu.memory_space<semaphore_mem>> -> memref<!tpu.dma_semaphore, #tpu.memory_space<semaphore_mem>>
    tpu.enqueue_indirect_dma source(%dma_start3A_171 : memref<2000000x64xf32, #tpu.memory_space<hbm>>) target(%dma_start3A_165 : memref<256x64xf32, #tpu.memory_space<vmem>>) offsets(%dma_start3A_168 : memref<256xi32, #tpu.memory_space<vmem>>) semaphore(%dma_start3A_173 : memref<!tpu.dma_semaphore, #tpu.memory_space<semaphore_mem>>) {add = true}
    %scan3A = arith.constant 0 : i32
    %scan3A_174 = arith.constant 20 : i32
    %scan3A_175 = arith.addi %scan3A, %scan3A_174 : i32
    %scan3A_176 = arith.constant 1 : i32
    scf.for %scan3A_268 = %scan3A to %scan3A_175 step %scan3A_176  : i32 {
      %mul3A_269 = arith.constant 5 : i32
      %mul3A_270 = arith.muli %scan3A_268, %mul3A_269 : i32
      %add3A_271 = arith.constant 0 : i32
      %add3A_272 = arith.addi %add3A_271, %mul3A_270 : i32
      %add3A_273 = arith.constant 0 : i32
      %add3A_274 = arith.addi %add3A_272, %add3A_273 : i32
      %add3A_275 = arith.constant 3 : i32
      %add3A_276 = arith.addi %add3A_274, %add3A_275 : i32
      %add3A_277 = arith.constant 1 : i32
      %add3A_278 = arith.addi %add3A_276, %add3A_277 : i32
      %ge3A = arith.constant 5 : i32
      %ge3A_279 = arith.cmpi sge, %add3A_278, %ge3A : i32
      %lt3A = arith.constant 100 : i32
      %lt3A_280 = arith.cmpi slt, %add3A_278, %lt3A : i32
      %and3A = arith.andi %ge3A_279, %lt3A_280 : i1
      %convert_element_type3A_281 = arith.extui %and3A : i1 to i32
      %cond3A_282 = arith.constant 0 : i32
      %cond3A_283 = arith.cmpi ne, %convert_element_type3A_281, %cond3A_282 : i32
      scf.if %cond3A_283 {
        %sub3A = arith.constant 5 : i32
        %sub3A_565 = arith.subi %add3A_278, %sub3A : i32
        %mul3A_566 = arith.constant 256 : i32
        %mul3A_567 = arith.muli %sub3A_565, %mul3A_566 : i32
        %add3A_568 = arith.addi %mul3A_4, %mul3A_567 : i32
        %dma_wait3A_569 = arith.constant 4 : i32
        %dma_wait3A_570 = arith.constant 4 : i32
        %dma_wait3A_571 = arith.constant 0 : i32
        %dma_wait3A_572 = arith.constant 0 : i32
        %dma_wait3A_573 = tpu.memref_slice %arg8[%dma_wait3A_569, %dma_wait3A_571, %dma_wait3A_572] : memref<5x256x64xf32, #tpu.memory_space<vmem>> -> memref<1x256x64xf32, #tpu.memory_space<vmem>>
        %dma_wait3A_574 = tpu.memref_squeeze %dma_wait3A_573 : memref<1x256x64xf32, #tpu.memory_space<vmem>> -> memref<256x64xf32, #tpu.memory_space<vmem>>
        %dma_wait3A_575 = arith.constant 0 : i32
        %dma_wait3A_576 = tpu.memref_slice %arg5[%add3A_568, %dma_wait3A_575] : memref<819200x128xf32, #tpu.memory_space<hbm>> -> memref<256x64xf32, #tpu.memory_space<hbm>>
        %dma_wait3A_577 = tpu.memref_slice %arg10[%dma_wait3A_570] : memref<5x!tpu.dma_semaphore, #tpu.memory_space<semaphore_mem>> -> memref<1x!tpu.dma_semaphore, #tpu.memory_space<semaphore_mem>>
        %dma_wait3A_578 = tpu.memref_squeeze %dma_wait3A_577 : memref<1x!tpu.dma_semaphore, #tpu.memory_space<semaphore_mem>> -> memref<!tpu.dma_semaphore, #tpu.memory_space<semaphore_mem>>
        %dma_wait3A_579 = arith.constant 0 : i32
        %dma_wait3A_580 = tpu.memref_slice %arg5[%add3A_568, %dma_wait3A_579] : memref<819200x128xf32, #tpu.memory_space<hbm>> -> memref<256x64xf32, #tpu.memory_space<hbm>>
        %dma_wait3A_581 = arith.constant 0 : i32
        %dma_wait3A_582 = arith.constant 0 : i32
        %dma_wait3A_583 = tpu.memref_slice %arg8[%dma_wait3A_569, %dma_wait3A_581, %dma_wait3A_582] : memref<5x256x64xf32, #tpu.memory_space<vmem>> -> memref<1x256x64xf32, #tpu.memory_space<vmem>>
        %dma_wait3A_584 = tpu.memref_squeeze %dma_wait3A_583 : memref<1x256x64xf32, #tpu.memory_space<vmem>> -> memref<256x64xf32, #tpu.memory_space<vmem>>
        tpu.wait_dma2 semaphore(%dma_wait3A_578 : memref<!tpu.dma_semaphore, #tpu.memory_space<semaphore_mem>>) src(%dma_wait3A_584 : memref<256x64xf32, #tpu.memory_space<vmem>>) dst(%dma_wait3A_580 : memref<256x64xf32, #tpu.memory_space<hbm>>)
      } else {
      }
      %lt3A_284 = arith.constant 100 : i32
      %lt3A_285 = arith.cmpi slt, %add3A_278, %lt3A_284 : i32
      %convert_element_type3A_286 = arith.extui %lt3A_285 : i1 to i32
      %cond3A_287 = arith.constant 0 : i32
      %cond3A_288 = arith.cmpi ne, %convert_element_type3A_286, %cond3A_287 : i32
      scf.if %cond3A_288 {
        %mul3A_565 = arith.constant 256 : i32
        %mul3A_566 = arith.muli %add3A_278, %mul3A_565 : i32
        %jit3A = arith.constant 200 : i32
        %eq3A_567 = arith.constant 0 : i32
        %eq3A_568 = arith.cmpi eq, %jit3A, %eq3A_567 : i32
        %jit3A_569 = arith.constant 1 : i32
        %select_n3A = arith.select %eq3A_568, %jit3A_569, %jit3A : i32
        %rem3A = arith.remsi %mul3A_566, %select_n3A : i32
        %ne3A = arith.constant 0 : i32
        %ne3A_570 = arith.cmpi ne, %rem3A, %ne3A : i32
        %lt3A_571 = arith.constant 0 : i32
        %lt3A_572 = arith.cmpi slt, %rem3A, %lt3A_571 : i32
        %lt3A_573 = arith.constant 0 : i32
        %lt3A_574 = arith.cmpi slt, %select_n3A, %lt3A_573 : i32
        %ne3A_575 = arith.xori %lt3A_572, %lt3A_574 : i1
        %and3A_576 = arith.andi %ne3A_575, %ne3A_570 : i1
        %add3A_577 = arith.addi %rem3A, %select_n3A : i32
        %select_n3A_578 = arith.select %and3A_576, %add3A_577, %rem3A : i32
        %dma_start3A_579 = arith.constant 4 : i32
        %dma_start3A_580 = arith.constant 4 : i32
        %dma_start3A_581 = arith.constant 0 : i32
        %dma_start3A_582 = arith.constant 0 : i32
        %dma_start3A_583 = tpu.memref_slice %arg8[%dma_start3A_579, %dma_start3A_581, %dma_start3A_582] : memref<5x256x64xf32, #tpu.memory_space<vmem>> -> memref<1x256x64xf32, #tpu.memory_space<vmem>>
        %dma_start3A_584 = tpu.memref_squeeze %dma_start3A_583 : memref<1x256x64xf32, #tpu.memory_space<vmem>> -> memref<256x64xf32, #tpu.memory_space<vmem>>
        %dma_start3A_585 = arith.constant 0 : i32
        %dma_start3A_586 = tpu.memref_slice %arg7[%select_n3A_578, %dma_start3A_585] : memref<600x64xf32, #tpu.memory_space<vmem_shared>> -> memref<256x64xf32, #tpu.memory_space<vmem_shared>>
        %dma_start3A_587 = tpu.memref_slice %arg11[%dma_start3A_580] : memref<5x!tpu.dma_semaphore, #tpu.memory_space<semaphore_mem>> -> memref<1x!tpu.dma_semaphore, #tpu.memory_space<semaphore_mem>>
        %dma_start3A_588 = tpu.memref_squeeze %dma_start3A_587 : memref<1x!tpu.dma_semaphore, #tpu.memory_space<semaphore_mem>> -> memref<!tpu.dma_semaphore, #tpu.memory_space<semaphore_mem>>
        %dma_start3A_589 = arith.constant 0 : i32
        %dma_start3A_590 = arith.constant 0 : i32
        %dma_start3A_591 = tpu.memref_slice %arg8[%dma_start3A_579, %dma_start3A_589, %dma_start3A_590] : memref<5x256x64xf32, #tpu.memory_space<vmem>> -> memref<1x256x64xf32, #tpu.memory_space<vmem>>
        %dma_start3A_592 = tpu.memref_squeeze %dma_start3A_591 : memref<1x256x64xf32, #tpu.memory_space<vmem>> -> memref<256x64xf32, #tpu.memory_space<vmem>>
        %dma_start3A_593 = arith.constant 0 : i32
        %dma_start3A_594 = tpu.memref_slice %arg7[%select_n3A_578, %dma_start3A_593] : memref<600x64xf32, #tpu.memory_space<vmem_shared>> -> memref<256x64xf32, #tpu.memory_space<vmem_shared>>
        tpu.enqueue_dma source(%dma_start3A_594 : memref<256x64xf32, #tpu.memory_space<vmem_shared>>) target(%dma_start3A_592 : memref<256x64xf32, #tpu.memory_space<vmem>>) target_semaphore(%dma_start3A_588 : memref<!tpu.dma_semaphore, #tpu.memory_space<semaphore_mem>>)
      } else {
      }
      %add3A_289 = arith.constant 3 : i32
      %add3A_290 = arith.addi %add3A_274, %add3A_289 : i32
      %lt3A_291 = arith.constant 100 : i32
      %lt3A_292 = arith.cmpi slt, %add3A_290, %lt3A_291 : i32
      %convert_element_type3A_293 = arith.extui %lt3A_292 : i1 to i32
      %cond3A_294 = arith.constant 0 : i32
      %cond3A_295 = arith.cmpi ne, %convert_element_type3A_293, %cond3A_294 : i32
      scf.if %cond3A_295 {
        %mul3A_565 = arith.constant 256 : i32
        %mul3A_566 = arith.muli %add3A_290, %mul3A_565 : i32
        %jit3A = arith.constant 200 : i32
        %eq3A_567 = arith.constant 0 : i32
        %eq3A_568 = arith.cmpi eq, %jit3A, %eq3A_567 : i32
        %jit3A_569 = arith.constant 1 : i32
        %select_n3A = arith.select %eq3A_568, %jit3A_569, %jit3A : i32
        %rem3A = arith.remsi %mul3A_566, %select_n3A : i32
        %ne3A = arith.constant 0 : i32
        %ne3A_570 = arith.cmpi ne, %rem3A, %ne3A : i32
        %lt3A_571 = arith.constant 0 : i32
        %lt3A_572 = arith.cmpi slt, %rem3A, %lt3A_571 : i32
        %lt3A_573 = arith.constant 0 : i32
        %lt3A_574 = arith.cmpi slt, %select_n3A, %lt3A_573 : i32
        %ne3A_575 = arith.xori %lt3A_572, %lt3A_574 : i1
        %and3A_576 = arith.andi %ne3A_575, %ne3A_570 : i1
        %add3A_577 = arith.addi %rem3A, %select_n3A : i32
        %select_n3A_578 = arith.select %and3A_576, %add3A_577, %rem3A : i32
        %dma_wait3A_579 = arith.constant 3 : i32
        %dma_wait3A_580 = arith.constant 3 : i32
        %dma_wait3A_581 = arith.constant 0 : i32
        %dma_wait3A_582 = arith.constant 0 : i32
        %dma_wait3A_583 = tpu.memref_slice %arg8[%dma_wait3A_579, %dma_wait3A_581, %dma_wait3A_582] : memref<5x256x64xf32, #tpu.memory_space<vmem>> -> memref<1x256x64xf32, #tpu.memory_space<vmem>>
        %dma_wait3A_584 = tpu.memref_squeeze %dma_wait3A_583 : memref<1x256x64xf32, #tpu.memory_space<vmem>> -> memref<256x64xf32, #tpu.memory_space<vmem>>
        %dma_wait3A_585 = arith.constant 0 : i32
        %dma_wait3A_586 = tpu.memref_slice %arg7[%select_n3A_578, %dma_wait3A_585] : memref<600x64xf32, #tpu.memory_space<vmem_shared>> -> memref<256x64xf32, #tpu.memory_space<vmem_shared>>
        %dma_wait3A_587 = tpu.memref_slice %arg11[%dma_wait3A_580] : memref<5x!tpu.dma_semaphore, #tpu.memory_space<semaphore_mem>> -> memref<1x!tpu.dma_semaphore, #tpu.memory_space<semaphore_mem>>
        %dma_wait3A_588 = tpu.memref_squeeze %dma_wait3A_587 : memref<1x!tpu.dma_semaphore, #tpu.memory_space<semaphore_mem>> -> memref<!tpu.dma_semaphore, #tpu.memory_space<semaphore_mem>>
        %dma_wait3A_589 = arith.constant 0 : i32
        %dma_wait3A_590 = arith.constant 0 : i32
        %dma_wait3A_591 = tpu.memref_slice %arg8[%dma_wait3A_579, %dma_wait3A_589, %dma_wait3A_590] : memref<5x256x64xf32, #tpu.memory_space<vmem>> -> memref<1x256x64xf32, #tpu.memory_space<vmem>>
        %dma_wait3A_592 = tpu.memref_squeeze %dma_wait3A_591 : memref<1x256x64xf32, #tpu.memory_space<vmem>> -> memref<256x64xf32, #tpu.memory_space<vmem>>
        %dma_wait3A_593 = arith.constant 0 : i32
        %dma_wait3A_594 = tpu.memref_slice %arg7[%select_n3A_578, %dma_wait3A_593] : memref<600x64xf32, #tpu.memory_space<vmem_shared>> -> memref<256x64xf32, #tpu.memory_space<vmem_shared>>
        tpu.wait_dma2 semaphore(%dma_wait3A_588 : memref<!tpu.dma_semaphore, #tpu.memory_space<semaphore_mem>>) src(%dma_wait3A_594 : memref<256x64xf32, #tpu.memory_space<vmem_shared>>) dst(%dma_wait3A_592 : memref<256x64xf32, #tpu.memory_space<vmem>>)
        %dma_start3A_595 = arith.constant 3 : i32
        %dma_start3A_596 = arith.constant 3 : i32
        %dma_start3A_597 = arith.constant 0 : i32
        %dma_start3A_598 = arith.constant 0 : i32
        %dma_start3A_599 = tpu.memref_slice %arg8[%dma_start3A_595, %dma_start3A_597, %dma_start3A_598] : memref<5x256x64xf32, #tpu.memory_space<vmem>> -> memref<1x256x64xf32, #tpu.memory_space<vmem>>
        %dma_start3A_600 = tpu.memref_squeeze %dma_start3A_599 : memref<1x256x64xf32, #tpu.memory_space<vmem>> -> memref<256x64xf32, #tpu.memory_space<vmem>>
        %dma_start3A_601 = arith.constant 0 : i32
        %dma_start3A_602 = tpu.memref_slice %arg6[%add3A_290, %dma_start3A_601] : memref<100x256xi32, #tpu.memory_space<vmem>> -> memref<1x256xi32, #tpu.memory_space<vmem>>
        %dma_start3A_603 = tpu.memref_squeeze %dma_start3A_602 : memref<1x256xi32, #tpu.memory_space<vmem>> -> memref<256xi32, #tpu.memory_space<vmem>>
        %dma_start3A_604 = arith.constant 0 : i32
        %dma_start3A_605 = arith.constant 0 : i32
        %dma_start3A_606 = tpu.memref_slice %arg3[%dma_start3A_604, %dma_start3A_605] : memref<2000000x64xf32, #tpu.memory_space<hbm>> -> memref<2000000x64xf32, #tpu.memory_space<hbm>>
        %dma_start3A_607 = tpu.memref_slice %arg9[%dma_start3A_596] : memref<5x!tpu.dma_semaphore, #tpu.memory_space<semaphore_mem>> -> memref<1x!tpu.dma_semaphore, #tpu.memory_space<semaphore_mem>>
        %dma_start3A_608 = tpu.memref_squeeze %dma_start3A_607 : memref<1x!tpu.dma_semaphore, #tpu.memory_space<semaphore_mem>> -> memref<!tpu.dma_semaphore, #tpu.memory_space<semaphore_mem>>
        tpu.enqueue_indirect_dma source(%dma_start3A_606 : memref<2000000x64xf32, #tpu.memory_space<hbm>>) target(%dma_start3A_600 : memref<256x64xf32, #tpu.memory_space<vmem>>) offsets(%dma_start3A_603 : memref<256xi32, #tpu.memory_space<vmem>>) semaphore(%dma_start3A_608 : memref<!tpu.dma_semaphore, #tpu.memory_space<semaphore_mem>>) {add = true}
      } else {
      }
      %dma_wait3A_296 = arith.constant 0 : i32
      %dma_wait3A_297 = arith.constant 0 : i32
      %dma_wait3A_298 = arith.constant 0 : i32
      %dma_wait3A_299 = arith.constant 0 : i32
      %dma_wait3A_300 = tpu.memref_slice %arg8[%dma_wait3A_296, %dma_wait3A_298, %dma_wait3A_299] : memref<5x256x64xf32, #tpu.memory_space<vmem>> -> memref<1x256x64xf32, #tpu.memory_space<vmem>>
      %dma_wait3A_301 = tpu.memref_squeeze %dma_wait3A_300 : memref<1x256x64xf32, #tpu.memory_space<vmem>> -> memref<256x64xf32, #tpu.memory_space<vmem>>
      %dma_wait3A_302 = arith.constant 0 : i32
      %dma_wait3A_303 = tpu.memref_slice %arg6[%add3A_274, %dma_wait3A_302] : memref<100x256xi32, #tpu.memory_space<vmem>> -> memref<1x256xi32, #tpu.memory_space<vmem>>
      %dma_wait3A_304 = tpu.memref_squeeze %dma_wait3A_303 : memref<1x256xi32, #tpu.memory_space<vmem>> -> memref<256xi32, #tpu.memory_space<vmem>>
      %dma_wait3A_305 = arith.constant 0 : i32
      %dma_wait3A_306 = arith.constant 0 : i32
      %dma_wait3A_307 = tpu.memref_slice %arg3[%dma_wait3A_305, %dma_wait3A_306] : memref<2000000x64xf32, #tpu.memory_space<hbm>> -> memref<2000000x64xf32, #tpu.memory_space<hbm>>
      %dma_wait3A_308 = tpu.memref_slice %arg9[%dma_wait3A_297] : memref<5x!tpu.dma_semaphore, #tpu.memory_space<semaphore_mem>> -> memref<1x!tpu.dma_semaphore, #tpu.memory_space<semaphore_mem>>
      %dma_wait3A_309 = tpu.memref_squeeze %dma_wait3A_308 : memref<1x!tpu.dma_semaphore, #tpu.memory_space<semaphore_mem>> -> memref<!tpu.dma_semaphore, #tpu.memory_space<semaphore_mem>>
      tpu.wait_indirect_dma semaphore(%dma_wait3A_309 : memref<!tpu.dma_semaphore, #tpu.memory_space<semaphore_mem>>) src(%dma_wait3A_307 : memref<2000000x64xf32, #tpu.memory_space<hbm>>) dst(%dma_wait3A_301 : memref<256x64xf32, #tpu.memory_space<vmem>>)
      %mul3A_310 = arith.constant 256 : i32
      %mul3A_311 = arith.muli %add3A_274, %mul3A_310 : i32
      %add3A_312 = arith.addi %mul3A_4, %mul3A_311 : i32
      %dma_start3A_313 = arith.constant 0 : i32
      %dma_start3A_314 = arith.constant 0 : i32
      %dma_start3A_315 = arith.constant 0 : i32
      %dma_start3A_316 = arith.constant 0 : i32
      %dma_start3A_317 = tpu.memref_slice %arg8[%dma_start3A_313, %dma_start3A_315, %dma_start3A_316] : memref<5x256x64xf32, #tpu.memory_space<vmem>> -> memref<1x256x64xf32, #tpu.memory_space<vmem>>
      %dma_start3A_318 = tpu.memref_squeeze %dma_start3A_317 : memref<1x256x64xf32, #tpu.memory_space<vmem>> -> memref<256x64xf32, #tpu.memory_space<vmem>>
      %dma_start3A_319 = arith.constant 0 : i32
      %dma_start3A_320 = tpu.memref_slice %arg5[%add3A_312, %dma_start3A_319] : memref<819200x128xf32, #tpu.memory_space<hbm>> -> memref<256x64xf32, #tpu.memory_space<hbm>>
      %dma_start3A_321 = tpu.memref_slice %arg10[%dma_start3A_314] : memref<5x!tpu.dma_semaphore, #tpu.memory_space<semaphore_mem>> -> memref<1x!tpu.dma_semaphore, #tpu.memory_space<semaphore_mem>>
      %dma_start3A_322 = tpu.memref_squeeze %dma_start3A_321 : memref<1x!tpu.dma_semaphore, #tpu.memory_space<semaphore_mem>> -> memref<!tpu.dma_semaphore, #tpu.memory_space<semaphore_mem>>
      %dma_start3A_323 = arith.constant 0 : i32
      %dma_start3A_324 = tpu.memref_slice %arg5[%add3A_312, %dma_start3A_323] : memref<819200x128xf32, #tpu.memory_space<hbm>> -> memref<256x64xf32, #tpu.memory_space<hbm>>
      %dma_start3A_325 = arith.constant 0 : i32
      %dma_start3A_326 = arith.constant 0 : i32
      %dma_start3A_327 = tpu.memref_slice %arg8[%dma_start3A_313, %dma_start3A_325, %dma_start3A_326] : memref<5x256x64xf32, #tpu.memory_space<vmem>> -> memref<1x256x64xf32, #tpu.memory_space<vmem>>
      %dma_start3A_328 = tpu.memref_squeeze %dma_start3A_327 : memref<1x256x64xf32, #tpu.memory_space<vmem>> -> memref<256x64xf32, #tpu.memory_space<vmem>>
      tpu.enqueue_dma source(%dma_start3A_328 : memref<256x64xf32, #tpu.memory_space<vmem>>) target(%dma_start3A_324 : memref<256x64xf32, #tpu.memory_space<hbm>>) target_semaphore(%dma_start3A_322 : memref<!tpu.dma_semaphore, #tpu.memory_space<semaphore_mem>>)
      %add3A_329 = arith.constant 1 : i32
      %add3A_330 = arith.addi %add3A_272, %add3A_329 : i32
      %add3A_331 = arith.constant 3 : i32
      %add3A_332 = arith.addi %add3A_330, %add3A_331 : i32
      %add3A_333 = arith.constant 1 : i32
      %add3A_334 = arith.addi %add3A_332, %add3A_333 : i32
      %ge3A_335 = arith.constant 5 : i32
      %ge3A_336 = arith.cmpi sge, %add3A_334, %ge3A_335 : i32
      %lt3A_337 = arith.constant 100 : i32
      %lt3A_338 = arith.cmpi slt, %add3A_334, %lt3A_337 : i32
      %and3A_339 = arith.andi %ge3A_336, %lt3A_338 : i1
      %convert_element_type3A_340 = arith.extui %and3A_339 : i1 to i32
      %cond3A_341 = arith.constant 0 : i32
      %cond3A_342 = arith.cmpi ne, %convert_element_type3A_340, %cond3A_341 : i32
      scf.if %cond3A_342 {
        %sub3A = arith.constant 5 : i32
        %sub3A_565 = arith.subi %add3A_334, %sub3A : i32
        %mul3A_566 = arith.constant 256 : i32
        %mul3A_567 = arith.muli %sub3A_565, %mul3A_566 : i32
        %add3A_568 = arith.addi %mul3A_4, %mul3A_567 : i32
        %dma_wait3A_569 = arith.constant 0 : i32
        %dma_wait3A_570 = arith.constant 0 : i32
        %dma_wait3A_571 = arith.constant 0 : i32
        %dma_wait3A_572 = arith.constant 0 : i32
        %dma_wait3A_573 = tpu.memref_slice %arg8[%dma_wait3A_569, %dma_wait3A_571, %dma_wait3A_572] : memref<5x256x64xf32, #tpu.memory_space<vmem>> -> memref<1x256x64xf32, #tpu.memory_space<vmem>>
        %dma_wait3A_574 = tpu.memref_squeeze %dma_wait3A_573 : memref<1x256x64xf32, #tpu.memory_space<vmem>> -> memref<256x64xf32, #tpu.memory_space<vmem>>
        %dma_wait3A_575 = arith.constant 0 : i32
        %dma_wait3A_576 = tpu.memref_slice %arg5[%add3A_568, %dma_wait3A_575] : memref<819200x128xf32, #tpu.memory_space<hbm>> -> memref<256x64xf32, #tpu.memory_space<hbm>>
        %dma_wait3A_577 = tpu.memref_slice %arg10[%dma_wait3A_570] : memref<5x!tpu.dma_semaphore, #tpu.memory_space<semaphore_mem>> -> memref<1x!tpu.dma_semaphore, #tpu.memory_space<semaphore_mem>>
        %dma_wait3A_578 = tpu.memref_squeeze %dma_wait3A_577 : memref<1x!tpu.dma_semaphore, #tpu.memory_space<semaphore_mem>> -> memref<!tpu.dma_semaphore, #tpu.memory_space<semaphore_mem>>
        %dma_wait3A_579 = arith.constant 0 : i32
        %dma_wait3A_580 = tpu.memref_slice %arg5[%add3A_568, %dma_wait3A_579] : memref<819200x128xf32, #tpu.memory_space<hbm>> -> memref<256x64xf32, #tpu.memory_space<hbm>>
        %dma_wait3A_581 = arith.constant 0 : i32
        %dma_wait3A_582 = arith.constant 0 : i32
        %dma_wait3A_583 = tpu.memref_slice %arg8[%dma_wait3A_569, %dma_wait3A_581, %dma_wait3A_582] : memref<5x256x64xf32, #tpu.memory_space<vmem>> -> memref<1x256x64xf32, #tpu.memory_space<vmem>>
        %dma_wait3A_584 = tpu.memref_squeeze %dma_wait3A_583 : memref<1x256x64xf32, #tpu.memory_space<vmem>> -> memref<256x64xf32, #tpu.memory_space<vmem>>
        tpu.wait_dma2 semaphore(%dma_wait3A_578 : memref<!tpu.dma_semaphore, #tpu.memory_space<semaphore_mem>>) src(%dma_wait3A_584 : memref<256x64xf32, #tpu.memory_space<vmem>>) dst(%dma_wait3A_580 : memref<256x64xf32, #tpu.memory_space<hbm>>)
      } else {
      }
      %lt3A_343 = arith.constant 100 : i32
      %lt3A_344 = arith.cmpi slt, %add3A_334, %lt3A_343 : i32
      %convert_element_type3A_345 = arith.extui %lt3A_344 : i1 to i32
      %cond3A_346 = arith.constant 0 : i32
      %cond3A_347 = arith.cmpi ne, %convert_element_type3A_345, %cond3A_346 : i32
      scf.if %cond3A_347 {
        %mul3A_565 = arith.constant 256 : i32
        %mul3A_566 = arith.muli %add3A_334, %mul3A_565 : i32
        %jit3A = arith.constant 200 : i32
        %eq3A_567 = arith.constant 0 : i32
        %eq3A_568 = arith.cmpi eq, %jit3A, %eq3A_567 : i32
        %jit3A_569 = arith.constant 1 : i32
        %select_n3A = arith.select %eq3A_568, %jit3A_569, %jit3A : i32
        %rem3A = arith.remsi %mul3A_566, %select_n3A : i32
        %ne3A = arith.constant 0 : i32
        %ne3A_570 = arith.cmpi ne, %rem3A, %ne3A : i32
        %lt3A_571 = arith.constant 0 : i32
        %lt3A_572 = arith.cmpi slt, %rem3A, %lt3A_571 : i32
        %lt3A_573 = arith.constant 0 : i32
        %lt3A_574 = arith.cmpi slt, %select_n3A, %lt3A_573 : i32
        %ne3A_575 = arith.xori %lt3A_572, %lt3A_574 : i1
        %and3A_576 = arith.andi %ne3A_575, %ne3A_570 : i1
        %add3A_577 = arith.addi %rem3A, %select_n3A : i32
        %select_n3A_578 = arith.select %and3A_576, %add3A_577, %rem3A : i32
        %dma_start3A_579 = arith.constant 0 : i32
        %dma_start3A_580 = arith.constant 0 : i32
        %dma_start3A_581 = arith.constant 0 : i32
        %dma_start3A_582 = arith.constant 0 : i32
        %dma_start3A_583 = tpu.memref_slice %arg8[%dma_start3A_579, %dma_start3A_581, %dma_start3A_582] : memref<5x256x64xf32, #tpu.memory_space<vmem>> -> memref<1x256x64xf32, #tpu.memory_space<vmem>>
        %dma_start3A_584 = tpu.memref_squeeze %dma_start3A_583 : memref<1x256x64xf32, #tpu.memory_space<vmem>> -> memref<256x64xf32, #tpu.memory_space<vmem>>
        %dma_start3A_585 = arith.constant 0 : i32
        %dma_start3A_586 = tpu.memref_slice %arg7[%select_n3A_578, %dma_start3A_585] : memref<600x64xf32, #tpu.memory_space<vmem_shared>> -> memref<256x64xf32, #tpu.memory_space<vmem_shared>>
        %dma_start3A_587 = tpu.memref_slice %arg11[%dma_start3A_580] : memref<5x!tpu.dma_semaphore, #tpu.memory_space<semaphore_mem>> -> memref<1x!tpu.dma_semaphore, #tpu.memory_space<semaphore_mem>>
        %dma_start3A_588 = tpu.memref_squeeze %dma_start3A_587 : memref<1x!tpu.dma_semaphore, #tpu.memory_space<semaphore_mem>> -> memref<!tpu.dma_semaphore, #tpu.memory_space<semaphore_mem>>
        %dma_start3A_589 = arith.constant 0 : i32
        %dma_start3A_590 = arith.constant 0 : i32
        %dma_start3A_591 = tpu.memref_slice %arg8[%dma_start3A_579, %dma_start3A_589, %dma_start3A_590] : memref<5x256x64xf32, #tpu.memory_space<vmem>> -> memref<1x256x64xf32, #tpu.memory_space<vmem>>
        %dma_start3A_592 = tpu.memref_squeeze %dma_start3A_591 : memref<1x256x64xf32, #tpu.memory_space<vmem>> -> memref<256x64xf32, #tpu.memory_space<vmem>>
        %dma_start3A_593 = arith.constant 0 : i32
        %dma_start3A_594 = tpu.memref_slice %arg7[%select_n3A_578, %dma_start3A_593] : memref<600x64xf32, #tpu.memory_space<vmem_shared>> -> memref<256x64xf32, #tpu.memory_space<vmem_shared>>
        tpu.enqueue_dma source(%dma_start3A_594 : memref<256x64xf32, #tpu.memory_space<vmem_shared>>) target(%dma_start3A_592 : memref<256x64xf32, #tpu.memory_space<vmem>>) target_semaphore(%dma_start3A_588 : memref<!tpu.dma_semaphore, #tpu.memory_space<semaphore_mem>>)
      } else {
      }
      %add3A_348 = arith.constant 3 : i32
      %add3A_349 = arith.addi %add3A_330, %add3A_348 : i32
      %lt3A_350 = arith.constant 100 : i32
      %lt3A_351 = arith.cmpi slt, %add3A_349, %lt3A_350 : i32
      %convert_element_type3A_352 = arith.extui %lt3A_351 : i1 to i32
      %cond3A_353 = arith.constant 0 : i32
      %cond3A_354 = arith.cmpi ne, %convert_element_type3A_352, %cond3A_353 : i32
      scf.if %cond3A_354 {
        %mul3A_565 = arith.constant 256 : i32
        %mul3A_566 = arith.muli %add3A_349, %mul3A_565 : i32
        %jit3A = arith.constant 200 : i32
        %eq3A_567 = arith.constant 0 : i32
        %eq3A_568 = arith.cmpi eq, %jit3A, %eq3A_567 : i32
        %jit3A_569 = arith.constant 1 : i32
        %select_n3A = arith.select %eq3A_568, %jit3A_569, %jit3A : i32
        %rem3A = arith.remsi %mul3A_566, %select_n3A : i32
        %ne3A = arith.constant 0 : i32
        %ne3A_570 = arith.cmpi ne, %rem3A, %ne3A : i32
        %lt3A_571 = arith.constant 0 : i32
        %lt3A_572 = arith.cmpi slt, %rem3A, %lt3A_571 : i32
        %lt3A_573 = arith.constant 0 : i32
        %lt3A_574 = arith.cmpi slt, %select_n3A, %lt3A_573 : i32
        %ne3A_575 = arith.xori %lt3A_572, %lt3A_574 : i1
        %and3A_576 = arith.andi %ne3A_575, %ne3A_570 : i1
        %add3A_577 = arith.addi %rem3A, %select_n3A : i32
        %select_n3A_578 = arith.select %and3A_576, %add3A_577, %rem3A : i32
        %dma_wait3A_579 = arith.constant 4 : i32
        %dma_wait3A_580 = arith.constant 4 : i32
        %dma_wait3A_581 = arith.constant 0 : i32
        %dma_wait3A_582 = arith.constant 0 : i32
        %dma_wait3A_583 = tpu.memref_slice %arg8[%dma_wait3A_579, %dma_wait3A_581, %dma_wait3A_582] : memref<5x256x64xf32, #tpu.memory_space<vmem>> -> memref<1x256x64xf32, #tpu.memory_space<vmem>>
        %dma_wait3A_584 = tpu.memref_squeeze %dma_wait3A_583 : memref<1x256x64xf32, #tpu.memory_space<vmem>> -> memref<256x64xf32, #tpu.memory_space<vmem>>
        %dma_wait3A_585 = arith.constant 0 : i32
        %dma_wait3A_586 = tpu.memref_slice %arg7[%select_n3A_578, %dma_wait3A_585] : memref<600x64xf32, #tpu.memory_space<vmem_shared>> -> memref<256x64xf32, #tpu.memory_space<vmem_shared>>
        %dma_wait3A_587 = tpu.memref_slice %arg11[%dma_wait3A_580] : memref<5x!tpu.dma_semaphore, #tpu.memory_space<semaphore_mem>> -> memref<1x!tpu.dma_semaphore, #tpu.memory_space<semaphore_mem>>
        %dma_wait3A_588 = tpu.memref_squeeze %dma_wait3A_587 : memref<1x!tpu.dma_semaphore, #tpu.memory_space<semaphore_mem>> -> memref<!tpu.dma_semaphore, #tpu.memory_space<semaphore_mem>>
        %dma_wait3A_589 = arith.constant 0 : i32
        %dma_wait3A_590 = arith.constant 0 : i32
        %dma_wait3A_591 = tpu.memref_slice %arg8[%dma_wait3A_579, %dma_wait3A_589, %dma_wait3A_590] : memref<5x256x64xf32, #tpu.memory_space<vmem>> -> memref<1x256x64xf32, #tpu.memory_space<vmem>>
        %dma_wait3A_592 = tpu.memref_squeeze %dma_wait3A_591 : memref<1x256x64xf32, #tpu.memory_space<vmem>> -> memref<256x64xf32, #tpu.memory_space<vmem>>
        %dma_wait3A_593 = arith.constant 0 : i32
        %dma_wait3A_594 = tpu.memref_slice %arg7[%select_n3A_578, %dma_wait3A_593] : memref<600x64xf32, #tpu.memory_space<vmem_shared>> -> memref<256x64xf32, #tpu.memory_space<vmem_shared>>
        tpu.wait_dma2 semaphore(%dma_wait3A_588 : memref<!tpu.dma_semaphore, #tpu.memory_space<semaphore_mem>>) src(%dma_wait3A_594 : memref<256x64xf32, #tpu.memory_space<vmem_shared>>) dst(%dma_wait3A_592 : memref<256x64xf32, #tpu.memory_space<vmem>>)
        %dma_start3A_595 = arith.constant 4 : i32
        %dma_start3A_596 = arith.constant 4 : i32
        %dma_start3A_597 = arith.constant 0 : i32
        %dma_start3A_598 = arith.constant 0 : i32
        %dma_start3A_599 = tpu.memref_slice %arg8[%dma_start3A_595, %dma_start3A_597, %dma_start3A_598] : memref<5x256x64xf32, #tpu.memory_space<vmem>> -> memref<1x256x64xf32, #tpu.memory_space<vmem>>
        %dma_start3A_600 = tpu.memref_squeeze %dma_start3A_599 : memref<1x256x64xf32, #tpu.memory_space<vmem>> -> memref<256x64xf32, #tpu.memory_space<vmem>>
        %dma_start3A_601 = arith.constant 0 : i32
        %dma_start3A_602 = tpu.memref_slice %arg6[%add3A_349, %dma_start3A_601] : memref<100x256xi32, #tpu.memory_space<vmem>> -> memref<1x256xi32, #tpu.memory_space<vmem>>
        %dma_start3A_603 = tpu.memref_squeeze %dma_start3A_602 : memref<1x256xi32, #tpu.memory_space<vmem>> -> memref<256xi32, #tpu.memory_space<vmem>>
        %dma_start3A_604 = arith.constant 0 : i32
        %dma_start3A_605 = arith.constant 0 : i32
        %dma_start3A_606 = tpu.memref_slice %arg3[%dma_start3A_604, %dma_start3A_605] : memref<2000000x64xf32, #tpu.memory_space<hbm>> -> memref<2000000x64xf32, #tpu.memory_space<hbm>>
        %dma_start3A_607 = tpu.memref_slice %arg9[%dma_start3A_596] : memref<5x!tpu.dma_semaphore, #tpu.memory_space<semaphore_mem>> -> memref<1x!tpu.dma_semaphore, #tpu.memory_space<semaphore_mem>>
        %dma_start3A_608 = tpu.memref_squeeze %dma_start3A_607 : memref<1x!tpu.dma_semaphore, #tpu.memory_space<semaphore_mem>> -> memref<!tpu.dma_semaphore, #tpu.memory_space<semaphore_mem>>
        tpu.enqueue_indirect_dma source(%dma_start3A_606 : memref<2000000x64xf32, #tpu.memory_space<hbm>>) target(%dma_start3A_600 : memref<256x64xf32, #tpu.memory_space<vmem>>) offsets(%dma_start3A_603 : memref<256xi32, #tpu.memory_space<vmem>>) semaphore(%dma_start3A_608 : memref<!tpu.dma_semaphore, #tpu.memory_space<semaphore_mem>>) {add = true}
      } else {
      }
      %dma_wait3A_355 = arith.constant 1 : i32
      %dma_wait3A_356 = arith.constant 1 : i32
      %dma_wait3A_357 = arith.constant 0 : i32
      %dma_wait3A_358 = arith.constant 0 : i32
      %dma_wait3A_359 = tpu.memref_slice %arg8[%dma_wait3A_355, %dma_wait3A_357, %dma_wait3A_358] : memref<5x256x64xf32, #tpu.memory_space<vmem>> -> memref<1x256x64xf32, #tpu.memory_space<vmem>>
      %dma_wait3A_360 = tpu.memref_squeeze %dma_wait3A_359 : memref<1x256x64xf32, #tpu.memory_space<vmem>> -> memref<256x64xf32, #tpu.memory_space<vmem>>
      %dma_wait3A_361 = arith.constant 0 : i32
      %dma_wait3A_362 = tpu.memref_slice %arg6[%add3A_330, %dma_wait3A_361] : memref<100x256xi32, #tpu.memory_space<vmem>> -> memref<1x256xi32, #tpu.memory_space<vmem>>
      %dma_wait3A_363 = tpu.memref_squeeze %dma_wait3A_362 : memref<1x256xi32, #tpu.memory_space<vmem>> -> memref<256xi32, #tpu.memory_space<vmem>>
      %dma_wait3A_364 = arith.constant 0 : i32
      %dma_wait3A_365 = arith.constant 0 : i32
      %dma_wait3A_366 = tpu.memref_slice %arg3[%dma_wait3A_364, %dma_wait3A_365] : memref<2000000x64xf32, #tpu.memory_space<hbm>> -> memref<2000000x64xf32, #tpu.memory_space<hbm>>
      %dma_wait3A_367 = tpu.memref_slice %arg9[%dma_wait3A_356] : memref<5x!tpu.dma_semaphore, #tpu.memory_space<semaphore_mem>> -> memref<1x!tpu.dma_semaphore, #tpu.memory_space<semaphore_mem>>
      %dma_wait3A_368 = tpu.memref_squeeze %dma_wait3A_367 : memref<1x!tpu.dma_semaphore, #tpu.memory_space<semaphore_mem>> -> memref<!tpu.dma_semaphore, #tpu.memory_space<semaphore_mem>>
      tpu.wait_indirect_dma semaphore(%dma_wait3A_368 : memref<!tpu.dma_semaphore, #tpu.memory_space<semaphore_mem>>) src(%dma_wait3A_366 : memref<2000000x64xf32, #tpu.memory_space<hbm>>) dst(%dma_wait3A_360 : memref<256x64xf32, #tpu.memory_space<vmem>>)
      %mul3A_369 = arith.constant 256 : i32
      %mul3A_370 = arith.muli %add3A_330, %mul3A_369 : i32
      %add3A_371 = arith.addi %mul3A_4, %mul3A_370 : i32
      %dma_start3A_372 = arith.constant 1 : i32
      %dma_start3A_373 = arith.constant 1 : i32
      %dma_start3A_374 = arith.constant 0 : i32
      %dma_start3A_375 = arith.constant 0 : i32
      %dma_start3A_376 = tpu.memref_slice %arg8[%dma_start3A_372, %dma_start3A_374, %dma_start3A_375] : memref<5x256x64xf32, #tpu.memory_space<vmem>> -> memref<1x256x64xf32, #tpu.memory_space<vmem>>
      %dma_start3A_377 = tpu.memref_squeeze %dma_start3A_376 : memref<1x256x64xf32, #tpu.memory_space<vmem>> -> memref<256x64xf32, #tpu.memory_space<vmem>>
      %dma_start3A_378 = arith.constant 0 : i32
      %dma_start3A_379 = tpu.memref_slice %arg5[%add3A_371, %dma_start3A_378] : memref<819200x128xf32, #tpu.memory_space<hbm>> -> memref<256x64xf32, #tpu.memory_space<hbm>>
      %dma_start3A_380 = tpu.memref_slice %arg10[%dma_start3A_373] : memref<5x!tpu.dma_semaphore, #tpu.memory_space<semaphore_mem>> -> memref<1x!tpu.dma_semaphore, #tpu.memory_space<semaphore_mem>>
      %dma_start3A_381 = tpu.memref_squeeze %dma_start3A_380 : memref<1x!tpu.dma_semaphore, #tpu.memory_space<semaphore_mem>> -> memref<!tpu.dma_semaphore, #tpu.memory_space<semaphore_mem>>
      %dma_start3A_382 = arith.constant 0 : i32
      %dma_start3A_383 = tpu.memref_slice %arg5[%add3A_371, %dma_start3A_382] : memref<819200x128xf32, #tpu.memory_space<hbm>> -> memref<256x64xf32, #tpu.memory_space<hbm>>
      %dma_start3A_384 = arith.constant 0 : i32
      %dma_start3A_385 = arith.constant 0 : i32
      %dma_start3A_386 = tpu.memref_slice %arg8[%dma_start3A_372, %dma_start3A_384, %dma_start3A_385] : memref<5x256x64xf32, #tpu.memory_space<vmem>> -> memref<1x256x64xf32, #tpu.memory_space<vmem>>
      %dma_start3A_387 = tpu.memref_squeeze %dma_start3A_386 : memref<1x256x64xf32, #tpu.memory_space<vmem>> -> memref<256x64xf32, #tpu.memory_space<vmem>>
      tpu.enqueue_dma source(%dma_start3A_387 : memref<256x64xf32, #tpu.memory_space<vmem>>) target(%dma_start3A_383 : memref<256x64xf32, #tpu.memory_space<hbm>>) target_semaphore(%dma_start3A_381 : memref<!tpu.dma_semaphore, #tpu.memory_space<semaphore_mem>>)
      %add3A_388 = arith.constant 2 : i32
      %add3A_389 = arith.addi %add3A_272, %add3A_388 : i32
      %add3A_390 = arith.constant 3 : i32
      %add3A_391 = arith.addi %add3A_389, %add3A_390 : i32
      %add3A_392 = arith.constant 1 : i32
      %add3A_393 = arith.addi %add3A_391, %add3A_392 : i32
      %ge3A_394 = arith.constant 5 : i32
      %ge3A_395 = arith.cmpi sge, %add3A_393, %ge3A_394 : i32
      %lt3A_396 = arith.constant 100 : i32
      %lt3A_397 = arith.cmpi slt, %add3A_393, %lt3A_396 : i32
      %and3A_398 = arith.andi %ge3A_395, %lt3A_397 : i1
      %convert_element_type3A_399 = arith.extui %and3A_398 : i1 to i32
      %cond3A_400 = arith.constant 0 : i32
      %cond3A_401 = arith.cmpi ne, %convert_element_type3A_399, %cond3A_400 : i32
      scf.if %cond3A_401 {
        %sub3A = arith.constant 5 : i32
        %sub3A_565 = arith.subi %add3A_393, %sub3A : i32
        %mul3A_566 = arith.constant 256 : i32
        %mul3A_567 = arith.muli %sub3A_565, %mul3A_566 : i32
        %add3A_568 = arith.addi %mul3A_4, %mul3A_567 : i32
        %dma_wait3A_569 = arith.constant 1 : i32
        %dma_wait3A_570 = arith.constant 1 : i32
        %dma_wait3A_571 = arith.constant 0 : i32
        %dma_wait3A_572 = arith.constant 0 : i32
        %dma_wait3A_573 = tpu.memref_slice %arg8[%dma_wait3A_569, %dma_wait3A_571, %dma_wait3A_572] : memref<5x256x64xf32, #tpu.memory_space<vmem>> -> memref<1x256x64xf32, #tpu.memory_space<vmem>>
        %dma_wait3A_574 = tpu.memref_squeeze %dma_wait3A_573 : memref<1x256x64xf32, #tpu.memory_space<vmem>> -> memref<256x64xf32, #tpu.memory_space<vmem>>
        %dma_wait3A_575 = arith.constant 0 : i32
        %dma_wait3A_576 = tpu.memref_slice %arg5[%add3A_568, %dma_wait3A_575] : memref<819200x128xf32, #tpu.memory_space<hbm>> -> memref<256x64xf32, #tpu.memory_space<hbm>>
        %dma_wait3A_577 = tpu.memref_slice %arg10[%dma_wait3A_570] : memref<5x!tpu.dma_semaphore, #tpu.memory_space<semaphore_mem>> -> memref<1x!tpu.dma_semaphore, #tpu.memory_space<semaphore_mem>>
        %dma_wait3A_578 = tpu.memref_squeeze %dma_wait3A_577 : memref<1x!tpu.dma_semaphore, #tpu.memory_space<semaphore_mem>> -> memref<!tpu.dma_semaphore, #tpu.memory_space<semaphore_mem>>
        %dma_wait3A_579 = arith.constant 0 : i32
        %dma_wait3A_580 = tpu.memref_slice %arg5[%add3A_568, %dma_wait3A_579] : memref<819200x128xf32, #tpu.memory_space<hbm>> -> memref<256x64xf32, #tpu.memory_space<hbm>>
        %dma_wait3A_581 = arith.constant 0 : i32
        %dma_wait3A_582 = arith.constant 0 : i32
        %dma_wait3A_583 = tpu.memref_slice %arg8[%dma_wait3A_569, %dma_wait3A_581, %dma_wait3A_582] : memref<5x256x64xf32, #tpu.memory_space<vmem>> -> memref<1x256x64xf32, #tpu.memory_space<vmem>>
        %dma_wait3A_584 = tpu.memref_squeeze %dma_wait3A_583 : memref<1x256x64xf32, #tpu.memory_space<vmem>> -> memref<256x64xf32, #tpu.memory_space<vmem>>
        tpu.wait_dma2 semaphore(%dma_wait3A_578 : memref<!tpu.dma_semaphore, #tpu.memory_space<semaphore_mem>>) src(%dma_wait3A_584 : memref<256x64xf32, #tpu.memory_space<vmem>>) dst(%dma_wait3A_580 : memref<256x64xf32, #tpu.memory_space<hbm>>)
      } else {
      }
      %lt3A_402 = arith.constant 100 : i32
      %lt3A_403 = arith.cmpi slt, %add3A_393, %lt3A_402 : i32
      %convert_element_type3A_404 = arith.extui %lt3A_403 : i1 to i32
      %cond3A_405 = arith.constant 0 : i32
      %cond3A_406 = arith.cmpi ne, %convert_element_type3A_404, %cond3A_405 : i32
      scf.if %cond3A_406 {
        %mul3A_565 = arith.constant 256 : i32
        %mul3A_566 = arith.muli %add3A_393, %mul3A_565 : i32
        %jit3A = arith.constant 200 : i32
        %eq3A_567 = arith.constant 0 : i32
        %eq3A_568 = arith.cmpi eq, %jit3A, %eq3A_567 : i32
        %jit3A_569 = arith.constant 1 : i32
        %select_n3A = arith.select %eq3A_568, %jit3A_569, %jit3A : i32
        %rem3A = arith.remsi %mul3A_566, %select_n3A : i32
        %ne3A = arith.constant 0 : i32
        %ne3A_570 = arith.cmpi ne, %rem3A, %ne3A : i32
        %lt3A_571 = arith.constant 0 : i32
        %lt3A_572 = arith.cmpi slt, %rem3A, %lt3A_571 : i32
        %lt3A_573 = arith.constant 0 : i32
        %lt3A_574 = arith.cmpi slt, %select_n3A, %lt3A_573 : i32
        %ne3A_575 = arith.xori %lt3A_572, %lt3A_574 : i1
        %and3A_576 = arith.andi %ne3A_575, %ne3A_570 : i1
        %add3A_577 = arith.addi %rem3A, %select_n3A : i32
        %select_n3A_578 = arith.select %and3A_576, %add3A_577, %rem3A : i32
        %dma_start3A_579 = arith.constant 1 : i32
        %dma_start3A_580 = arith.constant 1 : i32
        %dma_start3A_581 = arith.constant 0 : i32
        %dma_start3A_582 = arith.constant 0 : i32
        %dma_start3A_583 = tpu.memref_slice %arg8[%dma_start3A_579, %dma_start3A_581, %dma_start3A_582] : memref<5x256x64xf32, #tpu.memory_space<vmem>> -> memref<1x256x64xf32, #tpu.memory_space<vmem>>
        %dma_start3A_584 = tpu.memref_squeeze %dma_start3A_583 : memref<1x256x64xf32, #tpu.memory_space<vmem>> -> memref<256x64xf32, #tpu.memory_space<vmem>>
        %dma_start3A_585 = arith.constant 0 : i32
        %dma_start3A_586 = tpu.memref_slice %arg7[%select_n3A_578, %dma_start3A_585] : memref<600x64xf32, #tpu.memory_space<vmem_shared>> -> memref<256x64xf32, #tpu.memory_space<vmem_shared>>
        %dma_start3A_587 = tpu.memref_slice %arg11[%dma_start3A_580] : memref<5x!tpu.dma_semaphore, #tpu.memory_space<semaphore_mem>> -> memref<1x!tpu.dma_semaphore, #tpu.memory_space<semaphore_mem>>
        %dma_start3A_588 = tpu.memref_squeeze %dma_start3A_587 : memref<1x!tpu.dma_semaphore, #tpu.memory_space<semaphore_mem>> -> memref<!tpu.dma_semaphore, #tpu.memory_space<semaphore_mem>>
        %dma_start3A_589 = arith.constant 0 : i32
        %dma_start3A_590 = arith.constant 0 : i32
        %dma_start3A_591 = tpu.memref_slice %arg8[%dma_start3A_579, %dma_start3A_589, %dma_start3A_590] : memref<5x256x64xf32, #tpu.memory_space<vmem>> -> memref<1x256x64xf32, #tpu.memory_space<vmem>>
        %dma_start3A_592 = tpu.memref_squeeze %dma_start3A_591 : memref<1x256x64xf32, #tpu.memory_space<vmem>> -> memref<256x64xf32, #tpu.memory_space<vmem>>
        %dma_start3A_593 = arith.constant 0 : i32
        %dma_start3A_594 = tpu.memref_slice %arg7[%select_n3A_578, %dma_start3A_593] : memref<600x64xf32, #tpu.memory_space<vmem_shared>> -> memref<256x64xf32, #tpu.memory_space<vmem_shared>>
        tpu.enqueue_dma source(%dma_start3A_594 : memref<256x64xf32, #tpu.memory_space<vmem_shared>>) target(%dma_start3A_592 : memref<256x64xf32, #tpu.memory_space<vmem>>) target_semaphore(%dma_start3A_588 : memref<!tpu.dma_semaphore, #tpu.memory_space<semaphore_mem>>)
      } else {
      }
      %add3A_407 = arith.constant 3 : i32
      %add3A_408 = arith.addi %add3A_389, %add3A_407 : i32
      %lt3A_409 = arith.constant 100 : i32
      %lt3A_410 = arith.cmpi slt, %add3A_408, %lt3A_409 : i32
      %convert_element_type3A_411 = arith.extui %lt3A_410 : i1 to i32
      %cond3A_412 = arith.constant 0 : i32
      %cond3A_413 = arith.cmpi ne, %convert_element_type3A_411, %cond3A_412 : i32
      scf.if %cond3A_413 {
        %mul3A_565 = arith.constant 256 : i32
        %mul3A_566 = arith.muli %add3A_408, %mul3A_565 : i32
        %jit3A = arith.constant 200 : i32
        %eq3A_567 = arith.constant 0 : i32
        %eq3A_568 = arith.cmpi eq, %jit3A, %eq3A_567 : i32
        %jit3A_569 = arith.constant 1 : i32
        %select_n3A = arith.select %eq3A_568, %jit3A_569, %jit3A : i32
        %rem3A = arith.remsi %mul3A_566, %select_n3A : i32
        %ne3A = arith.constant 0 : i32
        %ne3A_570 = arith.cmpi ne, %rem3A, %ne3A : i32
        %lt3A_571 = arith.constant 0 : i32
        %lt3A_572 = arith.cmpi slt, %rem3A, %lt3A_571 : i32
        %lt3A_573 = arith.constant 0 : i32
        %lt3A_574 = arith.cmpi slt, %select_n3A, %lt3A_573 : i32
        %ne3A_575 = arith.xori %lt3A_572, %lt3A_574 : i1
        %and3A_576 = arith.andi %ne3A_575, %ne3A_570 : i1
        %add3A_577 = arith.addi %rem3A, %select_n3A : i32
        %select_n3A_578 = arith.select %and3A_576, %add3A_577, %rem3A : i32
        %dma_wait3A_579 = arith.constant 0 : i32
        %dma_wait3A_580 = arith.constant 0 : i32
        %dma_wait3A_581 = arith.constant 0 : i32
        %dma_wait3A_582 = arith.constant 0 : i32
        %dma_wait3A_583 = tpu.memref_slice %arg8[%dma_wait3A_579, %dma_wait3A_581, %dma_wait3A_582] : memref<5x256x64xf32, #tpu.memory_space<vmem>> -> memref<1x256x64xf32, #tpu.memory_space<vmem>>
        %dma_wait3A_584 = tpu.memref_squeeze %dma_wait3A_583 : memref<1x256x64xf32, #tpu.memory_space<vmem>> -> memref<256x64xf32, #tpu.memory_space<vmem>>
        %dma_wait3A_585 = arith.constant 0 : i32
        %dma_wait3A_586 = tpu.memref_slice %arg7[%select_n3A_578, %dma_wait3A_585] : memref<600x64xf32, #tpu.memory_space<vmem_shared>> -> memref<256x64xf32, #tpu.memory_space<vmem_shared>>
        %dma_wait3A_587 = tpu.memref_slice %arg11[%dma_wait3A_580] : memref<5x!tpu.dma_semaphore, #tpu.memory_space<semaphore_mem>> -> memref<1x!tpu.dma_semaphore, #tpu.memory_space<semaphore_mem>>
        %dma_wait3A_588 = tpu.memref_squeeze %dma_wait3A_587 : memref<1x!tpu.dma_semaphore, #tpu.memory_space<semaphore_mem>> -> memref<!tpu.dma_semaphore, #tpu.memory_space<semaphore_mem>>
        %dma_wait3A_589 = arith.constant 0 : i32
        %dma_wait3A_590 = arith.constant 0 : i32
        %dma_wait3A_591 = tpu.memref_slice %arg8[%dma_wait3A_579, %dma_wait3A_589, %dma_wait3A_590] : memref<5x256x64xf32, #tpu.memory_space<vmem>> -> memref<1x256x64xf32, #tpu.memory_space<vmem>>
        %dma_wait3A_592 = tpu.memref_squeeze %dma_wait3A_591 : memref<1x256x64xf32, #tpu.memory_space<vmem>> -> memref<256x64xf32, #tpu.memory_space<vmem>>
        %dma_wait3A_593 = arith.constant 0 : i32
        %dma_wait3A_594 = tpu.memref_slice %arg7[%select_n3A_578, %dma_wait3A_593] : memref<600x64xf32, #tpu.memory_space<vmem_shared>> -> memref<256x64xf32, #tpu.memory_space<vmem_shared>>
        tpu.wait_dma2 semaphore(%dma_wait3A_588 : memref<!tpu.dma_semaphore, #tpu.memory_space<semaphore_mem>>) src(%dma_wait3A_594 : memref<256x64xf32, #tpu.memory_space<vmem_shared>>) dst(%dma_wait3A_592 : memref<256x64xf32, #tpu.memory_space<vmem>>)
        %dma_start3A_595 = arith.constant 0 : i32
        %dma_start3A_596 = arith.constant 0 : i32
        %dma_start3A_597 = arith.constant 0 : i32
        %dma_start3A_598 = arith.constant 0 : i32
        %dma_start3A_599 = tpu.memref_slice %arg8[%dma_start3A_595, %dma_start3A_597, %dma_start3A_598] : memref<5x256x64xf32, #tpu.memory_space<vmem>> -> memref<1x256x64xf32, #tpu.memory_space<vmem>>
        %dma_start3A_600 = tpu.memref_squeeze %dma_start3A_599 : memref<1x256x64xf32, #tpu.memory_space<vmem>> -> memref<256x64xf32, #tpu.memory_space<vmem>>
        %dma_start3A_601 = arith.constant 0 : i32
        %dma_start3A_602 = tpu.memref_slice %arg6[%add3A_408, %dma_start3A_601] : memref<100x256xi32, #tpu.memory_space<vmem>> -> memref<1x256xi32, #tpu.memory_space<vmem>>
        %dma_start3A_603 = tpu.memref_squeeze %dma_start3A_602 : memref<1x256xi32, #tpu.memory_space<vmem>> -> memref<256xi32, #tpu.memory_space<vmem>>
        %dma_start3A_604 = arith.constant 0 : i32
        %dma_start3A_605 = arith.constant 0 : i32
        %dma_start3A_606 = tpu.memref_slice %arg3[%dma_start3A_604, %dma_start3A_605] : memref<2000000x64xf32, #tpu.memory_space<hbm>> -> memref<2000000x64xf32, #tpu.memory_space<hbm>>
        %dma_start3A_607 = tpu.memref_slice %arg9[%dma_start3A_596] : memref<5x!tpu.dma_semaphore, #tpu.memory_space<semaphore_mem>> -> memref<1x!tpu.dma_semaphore, #tpu.memory_space<semaphore_mem>>
        %dma_start3A_608 = tpu.memref_squeeze %dma_start3A_607 : memref<1x!tpu.dma_semaphore, #tpu.memory_space<semaphore_mem>> -> memref<!tpu.dma_semaphore, #tpu.memory_space<semaphore_mem>>
        tpu.enqueue_indirect_dma source(%dma_start3A_606 : memref<2000000x64xf32, #tpu.memory_space<hbm>>) target(%dma_start3A_600 : memref<256x64xf32, #tpu.memory_space<vmem>>) offsets(%dma_start3A_603 : memref<256xi32, #tpu.memory_space<vmem>>) semaphore(%dma_start3A_608 : memref<!tpu.dma_semaphore, #tpu.memory_space<semaphore_mem>>) {add = true}
      } else {
      }
      %dma_wait3A_414 = arith.constant 2 : i32
      %dma_wait3A_415 = arith.constant 2 : i32
      %dma_wait3A_416 = arith.constant 0 : i32
      %dma_wait3A_417 = arith.constant 0 : i32
      %dma_wait3A_418 = tpu.memref_slice %arg8[%dma_wait3A_414, %dma_wait3A_416, %dma_wait3A_417] : memref<5x256x64xf32, #tpu.memory_space<vmem>> -> memref<1x256x64xf32, #tpu.memory_space<vmem>>
      %dma_wait3A_419 = tpu.memref_squeeze %dma_wait3A_418 : memref<1x256x64xf32, #tpu.memory_space<vmem>> -> memref<256x64xf32, #tpu.memory_space<vmem>>
      %dma_wait3A_420 = arith.constant 0 : i32
      %dma_wait3A_421 = tpu.memref_slice %arg6[%add3A_389, %dma_wait3A_420] : memref<100x256xi32, #tpu.memory_space<vmem>> -> memref<1x256xi32, #tpu.memory_space<vmem>>
      %dma_wait3A_422 = tpu.memref_squeeze %dma_wait3A_421 : memref<1x256xi32, #tpu.memory_space<vmem>> -> memref<256xi32, #tpu.memory_space<vmem>>
      %dma_wait3A_423 = arith.constant 0 : i32
      %dma_wait3A_424 = arith.constant 0 : i32
      %dma_wait3A_425 = tpu.memref_slice %arg3[%dma_wait3A_423, %dma_wait3A_424] : memref<2000000x64xf32, #tpu.memory_space<hbm>> -> memref<2000000x64xf32, #tpu.memory_space<hbm>>
      %dma_wait3A_426 = tpu.memref_slice %arg9[%dma_wait3A_415] : memref<5x!tpu.dma_semaphore, #tpu.memory_space<semaphore_mem>> -> memref<1x!tpu.dma_semaphore, #tpu.memory_space<semaphore_mem>>
      %dma_wait3A_427 = tpu.memref_squeeze %dma_wait3A_426 : memref<1x!tpu.dma_semaphore, #tpu.memory_space<semaphore_mem>> -> memref<!tpu.dma_semaphore, #tpu.memory_space<semaphore_mem>>
      tpu.wait_indirect_dma semaphore(%dma_wait3A_427 : memref<!tpu.dma_semaphore, #tpu.memory_space<semaphore_mem>>) src(%dma_wait3A_425 : memref<2000000x64xf32, #tpu.memory_space<hbm>>) dst(%dma_wait3A_419 : memref<256x64xf32, #tpu.memory_space<vmem>>)
      %mul3A_428 = arith.constant 256 : i32
      %mul3A_429 = arith.muli %add3A_389, %mul3A_428 : i32
      %add3A_430 = arith.addi %mul3A_4, %mul3A_429 : i32
      %dma_start3A_431 = arith.constant 2 : i32
      %dma_start3A_432 = arith.constant 2 : i32
      %dma_start3A_433 = arith.constant 0 : i32
      %dma_start3A_434 = arith.constant 0 : i32
      %dma_start3A_435 = tpu.memref_slice %arg8[%dma_start3A_431, %dma_start3A_433, %dma_start3A_434] : memref<5x256x64xf32, #tpu.memory_space<vmem>> -> memref<1x256x64xf32, #tpu.memory_space<vmem>>
      %dma_start3A_436 = tpu.memref_squeeze %dma_start3A_435 : memref<1x256x64xf32, #tpu.memory_space<vmem>> -> memref<256x64xf32, #tpu.memory_space<vmem>>
      %dma_start3A_437 = arith.constant 0 : i32
      %dma_start3A_438 = tpu.memref_slice %arg5[%add3A_430, %dma_start3A_437] : memref<819200x128xf32, #tpu.memory_space<hbm>> -> memref<256x64xf32, #tpu.memory_space<hbm>>
      %dma_start3A_439 = tpu.memref_slice %arg10[%dma_start3A_432] : memref<5x!tpu.dma_semaphore, #tpu.memory_space<semaphore_mem>> -> memref<1x!tpu.dma_semaphore, #tpu.memory_space<semaphore_mem>>
      %dma_start3A_440 = tpu.memref_squeeze %dma_start3A_439 : memref<1x!tpu.dma_semaphore, #tpu.memory_space<semaphore_mem>> -> memref<!tpu.dma_semaphore, #tpu.memory_space<semaphore_mem>>
      %dma_start3A_441 = arith.constant 0 : i32
      %dma_start3A_442 = tpu.memref_slice %arg5[%add3A_430, %dma_start3A_441] : memref<819200x128xf32, #tpu.memory_space<hbm>> -> memref<256x64xf32, #tpu.memory_space<hbm>>
      %dma_start3A_443 = arith.constant 0 : i32
      %dma_start3A_444 = arith.constant 0 : i32
      %dma_start3A_445 = tpu.memref_slice %arg8[%dma_start3A_431, %dma_start3A_443, %dma_start3A_444] : memref<5x256x64xf32, #tpu.memory_space<vmem>> -> memref<1x256x64xf32, #tpu.memory_space<vmem>>
      %dma_start3A_446 = tpu.memref_squeeze %dma_start3A_445 : memref<1x256x64xf32, #tpu.memory_space<vmem>> -> memref<256x64xf32, #tpu.memory_space<vmem>>
      tpu.enqueue_dma source(%dma_start3A_446 : memref<256x64xf32, #tpu.memory_space<vmem>>) target(%dma_start3A_442 : memref<256x64xf32, #tpu.memory_space<hbm>>) target_semaphore(%dma_start3A_440 : memref<!tpu.dma_semaphore, #tpu.memory_space<semaphore_mem>>)
      %add3A_447 = arith.constant 3 : i32
      %add3A_448 = arith.addi %add3A_272, %add3A_447 : i32
      %add3A_449 = arith.constant 3 : i32
      %add3A_450 = arith.addi %add3A_448, %add3A_449 : i32
      %add3A_451 = arith.constant 1 : i32
      %add3A_452 = arith.addi %add3A_450, %add3A_451 : i32
      %ge3A_453 = arith.constant 5 : i32
      %ge3A_454 = arith.cmpi sge, %add3A_452, %ge3A_453 : i32
      %lt3A_455 = arith.constant 100 : i32
      %lt3A_456 = arith.cmpi slt, %add3A_452, %lt3A_455 : i32
      %and3A_457 = arith.andi %ge3A_454, %lt3A_456 : i1
      %convert_element_type3A_458 = arith.extui %and3A_457 : i1 to i32
      %cond3A_459 = arith.constant 0 : i32
      %cond3A_460 = arith.cmpi ne, %convert_element_type3A_458, %cond3A_459 : i32
      scf.if %cond3A_460 {
        %sub3A = arith.constant 5 : i32
        %sub3A_565 = arith.subi %add3A_452, %sub3A : i32
        %mul3A_566 = arith.constant 256 : i32
        %mul3A_567 = arith.muli %sub3A_565, %mul3A_566 : i32
        %add3A_568 = arith.addi %mul3A_4, %mul3A_567 : i32
        %dma_wait3A_569 = arith.constant 2 : i32
        %dma_wait3A_570 = arith.constant 2 : i32
        %dma_wait3A_571 = arith.constant 0 : i32
        %dma_wait3A_572 = arith.constant 0 : i32
        %dma_wait3A_573 = tpu.memref_slice %arg8[%dma_wait3A_569, %dma_wait3A_571, %dma_wait3A_572] : memref<5x256x64xf32, #tpu.memory_space<vmem>> -> memref<1x256x64xf32, #tpu.memory_space<vmem>>
        %dma_wait3A_574 = tpu.memref_squeeze %dma_wait3A_573 : memref<1x256x64xf32, #tpu.memory_space<vmem>> -> memref<256x64xf32, #tpu.memory_space<vmem>>
        %dma_wait3A_575 = arith.constant 0 : i32
        %dma_wait3A_576 = tpu.memref_slice %arg5[%add3A_568, %dma_wait3A_575] : memref<819200x128xf32, #tpu.memory_space<hbm>> -> memref<256x64xf32, #tpu.memory_space<hbm>>
        %dma_wait3A_577 = tpu.memref_slice %arg10[%dma_wait3A_570] : memref<5x!tpu.dma_semaphore, #tpu.memory_space<semaphore_mem>> -> memref<1x!tpu.dma_semaphore, #tpu.memory_space<semaphore_mem>>
        %dma_wait3A_578 = tpu.memref_squeeze %dma_wait3A_577 : memref<1x!tpu.dma_semaphore, #tpu.memory_space<semaphore_mem>> -> memref<!tpu.dma_semaphore, #tpu.memory_space<semaphore_mem>>
        %dma_wait3A_579 = arith.constant 0 : i32
        %dma_wait3A_580 = tpu.memref_slice %arg5[%add3A_568, %dma_wait3A_579] : memref<819200x128xf32, #tpu.memory_space<hbm>> -> memref<256x64xf32, #tpu.memory_space<hbm>>
        %dma_wait3A_581 = arith.constant 0 : i32
        %dma_wait3A_582 = arith.constant 0 : i32
        %dma_wait3A_583 = tpu.memref_slice %arg8[%dma_wait3A_569, %dma_wait3A_581, %dma_wait3A_582] : memref<5x256x64xf32, #tpu.memory_space<vmem>> -> memref<1x256x64xf32, #tpu.memory_space<vmem>>
        %dma_wait3A_584 = tpu.memref_squeeze %dma_wait3A_583 : memref<1x256x64xf32, #tpu.memory_space<vmem>> -> memref<256x64xf32, #tpu.memory_space<vmem>>
        tpu.wait_dma2 semaphore(%dma_wait3A_578 : memref<!tpu.dma_semaphore, #tpu.memory_space<semaphore_mem>>) src(%dma_wait3A_584 : memref<256x64xf32, #tpu.memory_space<vmem>>) dst(%dma_wait3A_580 : memref<256x64xf32, #tpu.memory_space<hbm>>)
      } else {
      }
      %lt3A_461 = arith.constant 100 : i32
      %lt3A_462 = arith.cmpi slt, %add3A_452, %lt3A_461 : i32
      %convert_element_type3A_463 = arith.extui %lt3A_462 : i1 to i32
      %cond3A_464 = arith.constant 0 : i32
      %cond3A_465 = arith.cmpi ne, %convert_element_type3A_463, %cond3A_464 : i32
      scf.if %cond3A_465 {
        %mul3A_565 = arith.constant 256 : i32
        %mul3A_566 = arith.muli %add3A_452, %mul3A_565 : i32
        %jit3A = arith.constant 200 : i32
        %eq3A_567 = arith.constant 0 : i32
        %eq3A_568 = arith.cmpi eq, %jit3A, %eq3A_567 : i32
        %jit3A_569 = arith.constant 1 : i32
        %select_n3A = arith.select %eq3A_568, %jit3A_569, %jit3A : i32
        %rem3A = arith.remsi %mul3A_566, %select_n3A : i32
        %ne3A = arith.constant 0 : i32
        %ne3A_570 = arith.cmpi ne, %rem3A, %ne3A : i32
        %lt3A_571 = arith.constant 0 : i32
        %lt3A_572 = arith.cmpi slt, %rem3A, %lt3A_571 : i32
        %lt3A_573 = arith.constant 0 : i32
        %lt3A_574 = arith.cmpi slt, %select_n3A, %lt3A_573 : i32
        %ne3A_575 = arith.xori %lt3A_572, %lt3A_574 : i1
        %and3A_576 = arith.andi %ne3A_575, %ne3A_570 : i1
        %add3A_577 = arith.addi %rem3A, %select_n3A : i32
        %select_n3A_578 = arith.select %and3A_576, %add3A_577, %rem3A : i32
        %dma_start3A_579 = arith.constant 2 : i32
        %dma_start3A_580 = arith.constant 2 : i32
        %dma_start3A_581 = arith.constant 0 : i32
        %dma_start3A_582 = arith.constant 0 : i32
        %dma_start3A_583 = tpu.memref_slice %arg8[%dma_start3A_579, %dma_start3A_581, %dma_start3A_582] : memref<5x256x64xf32, #tpu.memory_space<vmem>> -> memref<1x256x64xf32, #tpu.memory_space<vmem>>
        %dma_start3A_584 = tpu.memref_squeeze %dma_start3A_583 : memref<1x256x64xf32, #tpu.memory_space<vmem>> -> memref<256x64xf32, #tpu.memory_space<vmem>>
        %dma_start3A_585 = arith.constant 0 : i32
        %dma_start3A_586 = tpu.memref_slice %arg7[%select_n3A_578, %dma_start3A_585] : memref<600x64xf32, #tpu.memory_space<vmem_shared>> -> memref<256x64xf32, #tpu.memory_space<vmem_shared>>
        %dma_start3A_587 = tpu.memref_slice %arg11[%dma_start3A_580] : memref<5x!tpu.dma_semaphore, #tpu.memory_space<semaphore_mem>> -> memref<1x!tpu.dma_semaphore, #tpu.memory_space<semaphore_mem>>
        %dma_start3A_588 = tpu.memref_squeeze %dma_start3A_587 : memref<1x!tpu.dma_semaphore, #tpu.memory_space<semaphore_mem>> -> memref<!tpu.dma_semaphore, #tpu.memory_space<semaphore_mem>>
        %dma_start3A_589 = arith.constant 0 : i32
        %dma_start3A_590 = arith.constant 0 : i32
        %dma_start3A_591 = tpu.memref_slice %arg8[%dma_start3A_579, %dma_start3A_589, %dma_start3A_590] : memref<5x256x64xf32, #tpu.memory_space<vmem>> -> memref<1x256x64xf32, #tpu.memory_space<vmem>>
        %dma_start3A_592 = tpu.memref_squeeze %dma_start3A_591 : memref<1x256x64xf32, #tpu.memory_space<vmem>> -> memref<256x64xf32, #tpu.memory_space<vmem>>
        %dma_start3A_593 = arith.constant 0 : i32
        %dma_start3A_594 = tpu.memref_slice %arg7[%select_n3A_578, %dma_start3A_593] : memref<600x64xf32, #tpu.memory_space<vmem_shared>> -> memref<256x64xf32, #tpu.memory_space<vmem_shared>>
        tpu.enqueue_dma source(%dma_start3A_594 : memref<256x64xf32, #tpu.memory_space<vmem_shared>>) target(%dma_start3A_592 : memref<256x64xf32, #tpu.memory_space<vmem>>) target_semaphore(%dma_start3A_588 : memref<!tpu.dma_semaphore, #tpu.memory_space<semaphore_mem>>)
      } else {
      }
      %add3A_466 = arith.constant 3 : i32
      %add3A_467 = arith.addi %add3A_448, %add3A_466 : i32
      %lt3A_468 = arith.constant 100 : i32
      %lt3A_469 = arith.cmpi slt, %add3A_467, %lt3A_468 : i32
      %convert_element_type3A_470 = arith.extui %lt3A_469 : i1 to i32
      %cond3A_471 = arith.constant 0 : i32
      %cond3A_472 = arith.cmpi ne, %convert_element_type3A_470, %cond3A_471 : i32
      scf.if %cond3A_472 {
        %mul3A_565 = arith.constant 256 : i32
        %mul3A_566 = arith.muli %add3A_467, %mul3A_565 : i32
        %jit3A = arith.constant 200 : i32
        %eq3A_567 = arith.constant 0 : i32
        %eq3A_568 = arith.cmpi eq, %jit3A, %eq3A_567 : i32
        %jit3A_569 = arith.constant 1 : i32
        %select_n3A = arith.select %eq3A_568, %jit3A_569, %jit3A : i32
        %rem3A = arith.remsi %mul3A_566, %select_n3A : i32
        %ne3A = arith.constant 0 : i32
        %ne3A_570 = arith.cmpi ne, %rem3A, %ne3A : i32
        %lt3A_571 = arith.constant 0 : i32
        %lt3A_572 = arith.cmpi slt, %rem3A, %lt3A_571 : i32
        %lt3A_573 = arith.constant 0 : i32
        %lt3A_574 = arith.cmpi slt, %select_n3A, %lt3A_573 : i32
        %ne3A_575 = arith.xori %lt3A_572, %lt3A_574 : i1
        %and3A_576 = arith.andi %ne3A_575, %ne3A_570 : i1
        %add3A_577 = arith.addi %rem3A, %select_n3A : i32
        %select_n3A_578 = arith.select %and3A_576, %add3A_577, %rem3A : i32
        %dma_wait3A_579 = arith.constant 1 : i32
        %dma_wait3A_580 = arith.constant 1 : i32
        %dma_wait3A_581 = arith.constant 0 : i32
        %dma_wait3A_582 = arith.constant 0 : i32
        %dma_wait3A_583 = tpu.memref_slice %arg8[%dma_wait3A_579, %dma_wait3A_581, %dma_wait3A_582] : memref<5x256x64xf32, #tpu.memory_space<vmem>> -> memref<1x256x64xf32, #tpu.memory_space<vmem>>
        %dma_wait3A_584 = tpu.memref_squeeze %dma_wait3A_583 : memref<1x256x64xf32, #tpu.memory_space<vmem>> -> memref<256x64xf32, #tpu.memory_space<vmem>>
        %dma_wait3A_585 = arith.constant 0 : i32
        %dma_wait3A_586 = tpu.memref_slice %arg7[%select_n3A_578, %dma_wait3A_585] : memref<600x64xf32, #tpu.memory_space<vmem_shared>> -> memref<256x64xf32, #tpu.memory_space<vmem_shared>>
        %dma_wait3A_587 = tpu.memref_slice %arg11[%dma_wait3A_580] : memref<5x!tpu.dma_semaphore, #tpu.memory_space<semaphore_mem>> -> memref<1x!tpu.dma_semaphore, #tpu.memory_space<semaphore_mem>>
        %dma_wait3A_588 = tpu.memref_squeeze %dma_wait3A_587 : memref<1x!tpu.dma_semaphore, #tpu.memory_space<semaphore_mem>> -> memref<!tpu.dma_semaphore, #tpu.memory_space<semaphore_mem>>
        %dma_wait3A_589 = arith.constant 0 : i32
        %dma_wait3A_590 = arith.constant 0 : i32
        %dma_wait3A_591 = tpu.memref_slice %arg8[%dma_wait3A_579, %dma_wait3A_589, %dma_wait3A_590] : memref<5x256x64xf32, #tpu.memory_space<vmem>> -> memref<1x256x64xf32, #tpu.memory_space<vmem>>
        %dma_wait3A_592 = tpu.memref_squeeze %dma_wait3A_591 : memref<1x256x64xf32, #tpu.memory_space<vmem>> -> memref<256x64xf32, #tpu.memory_space<vmem>>
        %dma_wait3A_593 = arith.constant 0 : i32
        %dma_wait3A_594 = tpu.memref_slice %arg7[%select_n3A_578, %dma_wait3A_593] : memref<600x64xf32, #tpu.memory_space<vmem_shared>> -> memref<256x64xf32, #tpu.memory_space<vmem_shared>>
        tpu.wait_dma2 semaphore(%dma_wait3A_588 : memref<!tpu.dma_semaphore, #tpu.memory_space<semaphore_mem>>) src(%dma_wait3A_594 : memref<256x64xf32, #tpu.memory_space<vmem_shared>>) dst(%dma_wait3A_592 : memref<256x64xf32, #tpu.memory_space<vmem>>)
        %dma_start3A_595 = arith.constant 1 : i32
        %dma_start3A_596 = arith.constant 1 : i32
        %dma_start3A_597 = arith.constant 0 : i32
        %dma_start3A_598 = arith.constant 0 : i32
        %dma_start3A_599 = tpu.memref_slice %arg8[%dma_start3A_595, %dma_start3A_597, %dma_start3A_598] : memref<5x256x64xf32, #tpu.memory_space<vmem>> -> memref<1x256x64xf32, #tpu.memory_space<vmem>>
        %dma_start3A_600 = tpu.memref_squeeze %dma_start3A_599 : memref<1x256x64xf32, #tpu.memory_space<vmem>> -> memref<256x64xf32, #tpu.memory_space<vmem>>
        %dma_start3A_601 = arith.constant 0 : i32
        %dma_start3A_602 = tpu.memref_slice %arg6[%add3A_467, %dma_start3A_601] : memref<100x256xi32, #tpu.memory_space<vmem>> -> memref<1x256xi32, #tpu.memory_space<vmem>>
        %dma_start3A_603 = tpu.memref_squeeze %dma_start3A_602 : memref<1x256xi32, #tpu.memory_space<vmem>> -> memref<256xi32, #tpu.memory_space<vmem>>
        %dma_start3A_604 = arith.constant 0 : i32
        %dma_start3A_605 = arith.constant 0 : i32
        %dma_start3A_606 = tpu.memref_slice %arg3[%dma_start3A_604, %dma_start3A_605] : memref<2000000x64xf32, #tpu.memory_space<hbm>> -> memref<2000000x64xf32, #tpu.memory_space<hbm>>
        %dma_start3A_607 = tpu.memref_slice %arg9[%dma_start3A_596] : memref<5x!tpu.dma_semaphore, #tpu.memory_space<semaphore_mem>> -> memref<1x!tpu.dma_semaphore, #tpu.memory_space<semaphore_mem>>
        %dma_start3A_608 = tpu.memref_squeeze %dma_start3A_607 : memref<1x!tpu.dma_semaphore, #tpu.memory_space<semaphore_mem>> -> memref<!tpu.dma_semaphore, #tpu.memory_space<semaphore_mem>>
        tpu.enqueue_indirect_dma source(%dma_start3A_606 : memref<2000000x64xf32, #tpu.memory_space<hbm>>) target(%dma_start3A_600 : memref<256x64xf32, #tpu.memory_space<vmem>>) offsets(%dma_start3A_603 : memref<256xi32, #tpu.memory_space<vmem>>) semaphore(%dma_start3A_608 : memref<!tpu.dma_semaphore, #tpu.memory_space<semaphore_mem>>) {add = true}
      } else {
      }
      %dma_wait3A_473 = arith.constant 3 : i32
      %dma_wait3A_474 = arith.constant 3 : i32
      %dma_wait3A_475 = arith.constant 0 : i32
      %dma_wait3A_476 = arith.constant 0 : i32
      %dma_wait3A_477 = tpu.memref_slice %arg8[%dma_wait3A_473, %dma_wait3A_475, %dma_wait3A_476] : memref<5x256x64xf32, #tpu.memory_space<vmem>> -> memref<1x256x64xf32, #tpu.memory_space<vmem>>
      %dma_wait3A_478 = tpu.memref_squeeze %dma_wait3A_477 : memref<1x256x64xf32, #tpu.memory_space<vmem>> -> memref<256x64xf32, #tpu.memory_space<vmem>>
      %dma_wait3A_479 = arith.constant 0 : i32
      %dma_wait3A_480 = tpu.memref_slice %arg6[%add3A_448, %dma_wait3A_479] : memref<100x256xi32, #tpu.memory_space<vmem>> -> memref<1x256xi32, #tpu.memory_space<vmem>>
      %dma_wait3A_481 = tpu.memref_squeeze %dma_wait3A_480 : memref<1x256xi32, #tpu.memory_space<vmem>> -> memref<256xi32, #tpu.memory_space<vmem>>
      %dma_wait3A_482 = arith.constant 0 : i32
      %dma_wait3A_483 = arith.constant 0 : i32
      %dma_wait3A_484 = tpu.memref_slice %arg3[%dma_wait3A_482, %dma_wait3A_483] : memref<2000000x64xf32, #tpu.memory_space<hbm>> -> memref<2000000x64xf32, #tpu.memory_space<hbm>>
      %dma_wait3A_485 = tpu.memref_slice %arg9[%dma_wait3A_474] : memref<5x!tpu.dma_semaphore, #tpu.memory_space<semaphore_mem>> -> memref<1x!tpu.dma_semaphore, #tpu.memory_space<semaphore_mem>>
      %dma_wait3A_486 = tpu.memref_squeeze %dma_wait3A_485 : memref<1x!tpu.dma_semaphore, #tpu.memory_space<semaphore_mem>> -> memref<!tpu.dma_semaphore, #tpu.memory_space<semaphore_mem>>
      tpu.wait_indirect_dma semaphore(%dma_wait3A_486 : memref<!tpu.dma_semaphore, #tpu.memory_space<semaphore_mem>>) src(%dma_wait3A_484 : memref<2000000x64xf32, #tpu.memory_space<hbm>>) dst(%dma_wait3A_478 : memref<256x64xf32, #tpu.memory_space<vmem>>)
      %mul3A_487 = arith.constant 256 : i32
      %mul3A_488 = arith.muli %add3A_448, %mul3A_487 : i32
      %add3A_489 = arith.addi %mul3A_4, %mul3A_488 : i32
      %dma_start3A_490 = arith.constant 3 : i32
      %dma_start3A_491 = arith.constant 3 : i32
      %dma_start3A_492 = arith.constant 0 : i32
      %dma_start3A_493 = arith.constant 0 : i32
      %dma_start3A_494 = tpu.memref_slice %arg8[%dma_start3A_490, %dma_start3A_492, %dma_start3A_493] : memref<5x256x64xf32, #tpu.memory_space<vmem>> -> memref<1x256x64xf32, #tpu.memory_space<vmem>>
      %dma_start3A_495 = tpu.memref_squeeze %dma_start3A_494 : memref<1x256x64xf32, #tpu.memory_space<vmem>> -> memref<256x64xf32, #tpu.memory_space<vmem>>
      %dma_start3A_496 = arith.constant 0 : i32
      %dma_start3A_497 = tpu.memref_slice %arg5[%add3A_489, %dma_start3A_496] : memref<819200x128xf32, #tpu.memory_space<hbm>> -> memref<256x64xf32, #tpu.memory_space<hbm>>
      %dma_start3A_498 = tpu.memref_slice %arg10[%dma_start3A_491] : memref<5x!tpu.dma_semaphore, #tpu.memory_space<semaphore_mem>> -> memref<1x!tpu.dma_semaphore, #tpu.memory_space<semaphore_mem>>
      %dma_start3A_499 = tpu.memref_squeeze %dma_start3A_498 : memref<1x!tpu.dma_semaphore, #tpu.memory_space<semaphore_mem>> -> memref<!tpu.dma_semaphore, #tpu.memory_space<semaphore_mem>>
      %dma_start3A_500 = arith.constant 0 : i32
      %dma_start3A_501 = tpu.memref_slice %arg5[%add3A_489, %dma_start3A_500] : memref<819200x128xf32, #tpu.memory_space<hbm>> -> memref<256x64xf32, #tpu.memory_space<hbm>>
      %dma_start3A_502 = arith.constant 0 : i32
      %dma_start3A_503 = arith.constant 0 : i32
      %dma_start3A_504 = tpu.memref_slice %arg8[%dma_start3A_490, %dma_start3A_502, %dma_start3A_503] : memref<5x256x64xf32, #tpu.memory_space<vmem>> -> memref<1x256x64xf32, #tpu.memory_space<vmem>>
      %dma_start3A_505 = tpu.memref_squeeze %dma_start3A_504 : memref<1x256x64xf32, #tpu.memory_space<vmem>> -> memref<256x64xf32, #tpu.memory_space<vmem>>
      tpu.enqueue_dma source(%dma_start3A_505 : memref<256x64xf32, #tpu.memory_space<vmem>>) target(%dma_start3A_501 : memref<256x64xf32, #tpu.memory_space<hbm>>) target_semaphore(%dma_start3A_499 : memref<!tpu.dma_semaphore, #tpu.memory_space<semaphore_mem>>)
      %add3A_506 = arith.constant 4 : i32
      %add3A_507 = arith.addi %add3A_272, %add3A_506 : i32
      %add3A_508 = arith.constant 3 : i32
      %add3A_509 = arith.addi %add3A_507, %add3A_508 : i32
      %add3A_510 = arith.constant 1 : i32
      %add3A_511 = arith.addi %add3A_509, %add3A_510 : i32
      %ge3A_512 = arith.constant 5 : i32
      %ge3A_513 = arith.cmpi sge, %add3A_511, %ge3A_512 : i32
      %lt3A_514 = arith.constant 100 : i32
      %lt3A_515 = arith.cmpi slt, %add3A_511, %lt3A_514 : i32
      %and3A_516 = arith.andi %ge3A_513, %lt3A_515 : i1
      %convert_element_type3A_517 = arith.extui %and3A_516 : i1 to i32
      %cond3A_518 = arith.constant 0 : i32
      %cond3A_519 = arith.cmpi ne, %convert_element_type3A_517, %cond3A_518 : i32
      scf.if %cond3A_519 {
        %sub3A = arith.constant 5 : i32
        %sub3A_565 = arith.subi %add3A_511, %sub3A : i32
        %mul3A_566 = arith.constant 256 : i32
        %mul3A_567 = arith.muli %sub3A_565, %mul3A_566 : i32
        %add3A_568 = arith.addi %mul3A_4, %mul3A_567 : i32
        %dma_wait3A_569 = arith.constant 3 : i32
        %dma_wait3A_570 = arith.constant 3 : i32
        %dma_wait3A_571 = arith.constant 0 : i32
        %dma_wait3A_572 = arith.constant 0 : i32
        %dma_wait3A_573 = tpu.memref_slice %arg8[%dma_wait3A_569, %dma_wait3A_571, %dma_wait3A_572] : memref<5x256x64xf32, #tpu.memory_space<vmem>> -> memref<1x256x64xf32, #tpu.memory_space<vmem>>
        %dma_wait3A_574 = tpu.memref_squeeze %dma_wait3A_573 : memref<1x256x64xf32, #tpu.memory_space<vmem>> -> memref<256x64xf32, #tpu.memory_space<vmem>>
        %dma_wait3A_575 = arith.constant 0 : i32
        %dma_wait3A_576 = tpu.memref_slice %arg5[%add3A_568, %dma_wait3A_575] : memref<819200x128xf32, #tpu.memory_space<hbm>> -> memref<256x64xf32, #tpu.memory_space<hbm>>
        %dma_wait3A_577 = tpu.memref_slice %arg10[%dma_wait3A_570] : memref<5x!tpu.dma_semaphore, #tpu.memory_space<semaphore_mem>> -> memref<1x!tpu.dma_semaphore, #tpu.memory_space<semaphore_mem>>
        %dma_wait3A_578 = tpu.memref_squeeze %dma_wait3A_577 : memref<1x!tpu.dma_semaphore, #tpu.memory_space<semaphore_mem>> -> memref<!tpu.dma_semaphore, #tpu.memory_space<semaphore_mem>>
        %dma_wait3A_579 = arith.constant 0 : i32
        %dma_wait3A_580 = tpu.memref_slice %arg5[%add3A_568, %dma_wait3A_579] : memref<819200x128xf32, #tpu.memory_space<hbm>> -> memref<256x64xf32, #tpu.memory_space<hbm>>
        %dma_wait3A_581 = arith.constant 0 : i32
        %dma_wait3A_582 = arith.constant 0 : i32
        %dma_wait3A_583 = tpu.memref_slice %arg8[%dma_wait3A_569, %dma_wait3A_581, %dma_wait3A_582] : memref<5x256x64xf32, #tpu.memory_space<vmem>> -> memref<1x256x64xf32, #tpu.memory_space<vmem>>
        %dma_wait3A_584 = tpu.memref_squeeze %dma_wait3A_583 : memref<1x256x64xf32, #tpu.memory_space<vmem>> -> memref<256x64xf32, #tpu.memory_space<vmem>>
        tpu.wait_dma2 semaphore(%dma_wait3A_578 : memref<!tpu.dma_semaphore, #tpu.memory_space<semaphore_mem>>) src(%dma_wait3A_584 : memref<256x64xf32, #tpu.memory_space<vmem>>) dst(%dma_wait3A_580 : memref<256x64xf32, #tpu.memory_space<hbm>>)
      } else {
      }
      %lt3A_520 = arith.constant 100 : i32
      %lt3A_521 = arith.cmpi slt, %add3A_511, %lt3A_520 : i32
      %convert_element_type3A_522 = arith.extui %lt3A_521 : i1 to i32
      %cond3A_523 = arith.constant 0 : i32
      %cond3A_524 = arith.cmpi ne, %convert_element_type3A_522, %cond3A_523 : i32
      scf.if %cond3A_524 {
        %mul3A_565 = arith.constant 256 : i32
        %mul3A_566 = arith.muli %add3A_511, %mul3A_565 : i32
        %jit3A = arith.constant 200 : i32
        %eq3A_567 = arith.constant 0 : i32
        %eq3A_568 = arith.cmpi eq, %jit3A, %eq3A_567 : i32
        %jit3A_569 = arith.constant 1 : i32
        %select_n3A = arith.select %eq3A_568, %jit3A_569, %jit3A : i32
        %rem3A = arith.remsi %mul3A_566, %select_n3A : i32
        %ne3A = arith.constant 0 : i32
        %ne3A_570 = arith.cmpi ne, %rem3A, %ne3A : i32
        %lt3A_571 = arith.constant 0 : i32
        %lt3A_572 = arith.cmpi slt, %rem3A, %lt3A_571 : i32
        %lt3A_573 = arith.constant 0 : i32
        %lt3A_574 = arith.cmpi slt, %select_n3A, %lt3A_573 : i32
        %ne3A_575 = arith.xori %lt3A_572, %lt3A_574 : i1
        %and3A_576 = arith.andi %ne3A_575, %ne3A_570 : i1
        %add3A_577 = arith.addi %rem3A, %select_n3A : i32
        %select_n3A_578 = arith.select %and3A_576, %add3A_577, %rem3A : i32
        %dma_start3A_579 = arith.constant 3 : i32
        %dma_start3A_580 = arith.constant 3 : i32
        %dma_start3A_581 = arith.constant 0 : i32
        %dma_start3A_582 = arith.constant 0 : i32
        %dma_start3A_583 = tpu.memref_slice %arg8[%dma_start3A_579, %dma_start3A_581, %dma_start3A_582] : memref<5x256x64xf32, #tpu.memory_space<vmem>> -> memref<1x256x64xf32, #tpu.memory_space<vmem>>
        %dma_start3A_584 = tpu.memref_squeeze %dma_start3A_583 : memref<1x256x64xf32, #tpu.memory_space<vmem>> -> memref<256x64xf32, #tpu.memory_space<vmem>>
        %dma_start3A_585 = arith.constant 0 : i32
        %dma_start3A_586 = tpu.memref_slice %arg7[%select_n3A_578, %dma_start3A_585] : memref<600x64xf32, #tpu.memory_space<vmem_shared>> -> memref<256x64xf32, #tpu.memory_space<vmem_shared>>
        %dma_start3A_587 = tpu.memref_slice %arg11[%dma_start3A_580] : memref<5x!tpu.dma_semaphore, #tpu.memory_space<semaphore_mem>> -> memref<1x!tpu.dma_semaphore, #tpu.memory_space<semaphore_mem>>
        %dma_start3A_588 = tpu.memref_squeeze %dma_start3A_587 : memref<1x!tpu.dma_semaphore, #tpu.memory_space<semaphore_mem>> -> memref<!tpu.dma_semaphore, #tpu.memory_space<semaphore_mem>>
        %dma_start3A_589 = arith.constant 0 : i32
        %dma_start3A_590 = arith.constant 0 : i32
        %dma_start3A_591 = tpu.memref_slice %arg8[%dma_start3A_579, %dma_start3A_589, %dma_start3A_590] : memref<5x256x64xf32, #tpu.memory_space<vmem>> -> memref<1x256x64xf32, #tpu.memory_space<vmem>>
        %dma_start3A_592 = tpu.memref_squeeze %dma_start3A_591 : memref<1x256x64xf32, #tpu.memory_space<vmem>> -> memref<256x64xf32, #tpu.memory_space<vmem>>
        %dma_start3A_593 = arith.constant 0 : i32
        %dma_start3A_594 = tpu.memref_slice %arg7[%select_n3A_578, %dma_start3A_593] : memref<600x64xf32, #tpu.memory_space<vmem_shared>> -> memref<256x64xf32, #tpu.memory_space<vmem_shared>>
        tpu.enqueue_dma source(%dma_start3A_594 : memref<256x64xf32, #tpu.memory_space<vmem_shared>>) target(%dma_start3A_592 : memref<256x64xf32, #tpu.memory_space<vmem>>) target_semaphore(%dma_start3A_588 : memref<!tpu.dma_semaphore, #tpu.memory_space<semaphore_mem>>)
      } else {
      }
      %add3A_525 = arith.constant 3 : i32
      %add3A_526 = arith.addi %add3A_507, %add3A_525 : i32
      %lt3A_527 = arith.constant 100 : i32
      %lt3A_528 = arith.cmpi slt, %add3A_526, %lt3A_527 : i32
      %convert_element_type3A_529 = arith.extui %lt3A_528 : i1 to i32
      %cond3A_530 = arith.constant 0 : i32
      %cond3A_531 = arith.cmpi ne, %convert_element_type3A_529, %cond3A_530 : i32
      scf.if %cond3A_531 {
        %mul3A_565 = arith.constant 256 : i32
        %mul3A_566 = arith.muli %add3A_526, %mul3A_565 : i32
        %jit3A = arith.constant 200 : i32
        %eq3A_567 = arith.constant 0 : i32
        %eq3A_568 = arith.cmpi eq, %jit3A, %eq3A_567 : i32
        %jit3A_569 = arith.constant 1 : i32
        %select_n3A = arith.select %eq3A_568, %jit3A_569, %jit3A : i32
        %rem3A = arith.remsi %mul3A_566, %select_n3A : i32
        %ne3A = arith.constant 0 : i32
        %ne3A_570 = arith.cmpi ne, %rem3A, %ne3A : i32
        %lt3A_571 = arith.constant 0 : i32
        %lt3A_572 = arith.cmpi slt, %rem3A, %lt3A_571 : i32
        %lt3A_573 = arith.constant 0 : i32
        %lt3A_574 = arith.cmpi slt, %select_n3A, %lt3A_573 : i32
        %ne3A_575 = arith.xori %lt3A_572, %lt3A_574 : i1
        %and3A_576 = arith.andi %ne3A_575, %ne3A_570 : i1
        %add3A_577 = arith.addi %rem3A, %select_n3A : i32
        %select_n3A_578 = arith.select %and3A_576, %add3A_577, %rem3A : i32
        %dma_wait3A_579 = arith.constant 2 : i32
        %dma_wait3A_580 = arith.constant 2 : i32
        %dma_wait3A_581 = arith.constant 0 : i32
        %dma_wait3A_582 = arith.constant 0 : i32
        %dma_wait3A_583 = tpu.memref_slice %arg8[%dma_wait3A_579, %dma_wait3A_581, %dma_wait3A_582] : memref<5x256x64xf32, #tpu.memory_space<vmem>> -> memref<1x256x64xf32, #tpu.memory_space<vmem>>
        %dma_wait3A_584 = tpu.memref_squeeze %dma_wait3A_583 : memref<1x256x64xf32, #tpu.memory_space<vmem>> -> memref<256x64xf32, #tpu.memory_space<vmem>>
        %dma_wait3A_585 = arith.constant 0 : i32
        %dma_wait3A_586 = tpu.memref_slice %arg7[%select_n3A_578, %dma_wait3A_585] : memref<600x64xf32, #tpu.memory_space<vmem_shared>> -> memref<256x64xf32, #tpu.memory_space<vmem_shared>>
        %dma_wait3A_587 = tpu.memref_slice %arg11[%dma_wait3A_580] : memref<5x!tpu.dma_semaphore, #tpu.memory_space<semaphore_mem>> -> memref<1x!tpu.dma_semaphore, #tpu.memory_space<semaphore_mem>>
        %dma_wait3A_588 = tpu.memref_squeeze %dma_wait3A_587 : memref<1x!tpu.dma_semaphore, #tpu.memory_space<semaphore_mem>> -> memref<!tpu.dma_semaphore, #tpu.memory_space<semaphore_mem>>
        %dma_wait3A_589 = arith.constant 0 : i32
        %dma_wait3A_590 = arith.constant 0 : i32
        %dma_wait3A_591 = tpu.memref_slice %arg8[%dma_wait3A_579, %dma_wait3A_589, %dma_wait3A_590] : memref<5x256x64xf32, #tpu.memory_space<vmem>> -> memref<1x256x64xf32, #tpu.memory_space<vmem>>
        %dma_wait3A_592 = tpu.memref_squeeze %dma_wait3A_591 : memref<1x256x64xf32, #tpu.memory_space<vmem>> -> memref<256x64xf32, #tpu.memory_space<vmem>>
        %dma_wait3A_593 = arith.constant 0 : i32
        %dma_wait3A_594 = tpu.memref_slice %arg7[%select_n3A_578, %dma_wait3A_593] : memref<600x64xf32, #tpu.memory_space<vmem_shared>> -> memref<256x64xf32, #tpu.memory_space<vmem_shared>>
        tpu.wait_dma2 semaphore(%dma_wait3A_588 : memref<!tpu.dma_semaphore, #tpu.memory_space<semaphore_mem>>) src(%dma_wait3A_594 : memref<256x64xf32, #tpu.memory_space<vmem_shared>>) dst(%dma_wait3A_592 : memref<256x64xf32, #tpu.memory_space<vmem>>)
        %dma_start3A_595 = arith.constant 2 : i32
        %dma_start3A_596 = arith.constant 2 : i32
        %dma_start3A_597 = arith.constant 0 : i32
        %dma_start3A_598 = arith.constant 0 : i32
        %dma_start3A_599 = tpu.memref_slice %arg8[%dma_start3A_595, %dma_start3A_597, %dma_start3A_598] : memref<5x256x64xf32, #tpu.memory_space<vmem>> -> memref<1x256x64xf32, #tpu.memory_space<vmem>>
        %dma_start3A_600 = tpu.memref_squeeze %dma_start3A_599 : memref<1x256x64xf32, #tpu.memory_space<vmem>> -> memref<256x64xf32, #tpu.memory_space<vmem>>
        %dma_start3A_601 = arith.constant 0 : i32
        %dma_start3A_602 = tpu.memref_slice %arg6[%add3A_526, %dma_start3A_601] : memref<100x256xi32, #tpu.memory_space<vmem>> -> memref<1x256xi32, #tpu.memory_space<vmem>>
        %dma_start3A_603 = tpu.memref_squeeze %dma_start3A_602 : memref<1x256xi32, #tpu.memory_space<vmem>> -> memref<256xi32, #tpu.memory_space<vmem>>
        %dma_start3A_604 = arith.constant 0 : i32
        %dma_start3A_605 = arith.constant 0 : i32
        %dma_start3A_606 = tpu.memref_slice %arg3[%dma_start3A_604, %dma_start3A_605] : memref<2000000x64xf32, #tpu.memory_space<hbm>> -> memref<2000000x64xf32, #tpu.memory_space<hbm>>
        %dma_start3A_607 = tpu.memref_slice %arg9[%dma_start3A_596] : memref<5x!tpu.dma_semaphore, #tpu.memory_space<semaphore_mem>> -> memref<1x!tpu.dma_semaphore, #tpu.memory_space<semaphore_mem>>
        %dma_start3A_608 = tpu.memref_squeeze %dma_start3A_607 : memref<1x!tpu.dma_semaphore, #tpu.memory_space<semaphore_mem>> -> memref<!tpu.dma_semaphore, #tpu.memory_space<semaphore_mem>>
        tpu.enqueue_indirect_dma source(%dma_start3A_606 : memref<2000000x64xf32, #tpu.memory_space<hbm>>) target(%dma_start3A_600 : memref<256x64xf32, #tpu.memory_space<vmem>>) offsets(%dma_start3A_603 : memref<256xi32, #tpu.memory_space<vmem>>) semaphore(%dma_start3A_608 : memref<!tpu.dma_semaphore, #tpu.memory_space<semaphore_mem>>) {add = true}
      } else {
      }
      %dma_wait3A_532 = arith.constant 4 : i32
      %dma_wait3A_533 = arith.constant 4 : i32
      %dma_wait3A_534 = arith.constant 0 : i32
      %dma_wait3A_535 = arith.constant 0 : i32
      %dma_wait3A_536 = tpu.memref_slice %arg8[%dma_wait3A_532, %dma_wait3A_534, %dma_wait3A_535] : memref<5x256x64xf32, #tpu.memory_space<vmem>> -> memref<1x256x64xf32, #tpu.memory_space<vmem>>
      %dma_wait3A_537 = tpu.memref_squeeze %dma_wait3A_536 : memref<1x256x64xf32, #tpu.memory_space<vmem>> -> memref<256x64xf32, #tpu.memory_space<vmem>>
      %dma_wait3A_538 = arith.constant 0 : i32
      %dma_wait3A_539 = tpu.memref_slice %arg6[%add3A_507, %dma_wait3A_538] : memref<100x256xi32, #tpu.memory_space<vmem>> -> memref<1x256xi32, #tpu.memory_space<vmem>>
      %dma_wait3A_540 = tpu.memref_squeeze %dma_wait3A_539 : memref<1x256xi32, #tpu.memory_space<vmem>> -> memref<256xi32, #tpu.memory_space<vmem>>
      %dma_wait3A_541 = arith.constant 0 : i32
      %dma_wait3A_542 = arith.constant 0 : i32
      %dma_wait3A_543 = tpu.memref_slice %arg3[%dma_wait3A_541, %dma_wait3A_542] : memref<2000000x64xf32, #tpu.memory_space<hbm>> -> memref<2000000x64xf32, #tpu.memory_space<hbm>>
      %dma_wait3A_544 = tpu.memref_slice %arg9[%dma_wait3A_533] : memref<5x!tpu.dma_semaphore, #tpu.memory_space<semaphore_mem>> -> memref<1x!tpu.dma_semaphore, #tpu.memory_space<semaphore_mem>>
      %dma_wait3A_545 = tpu.memref_squeeze %dma_wait3A_544 : memref<1x!tpu.dma_semaphore, #tpu.memory_space<semaphore_mem>> -> memref<!tpu.dma_semaphore, #tpu.memory_space<semaphore_mem>>
      tpu.wait_indirect_dma semaphore(%dma_wait3A_545 : memref<!tpu.dma_semaphore, #tpu.memory_space<semaphore_mem>>) src(%dma_wait3A_543 : memref<2000000x64xf32, #tpu.memory_space<hbm>>) dst(%dma_wait3A_537 : memref<256x64xf32, #tpu.memory_space<vmem>>)
      %mul3A_546 = arith.constant 256 : i32
      %mul3A_547 = arith.muli %add3A_507, %mul3A_546 : i32
      %add3A_548 = arith.addi %mul3A_4, %mul3A_547 : i32
      %dma_start3A_549 = arith.constant 4 : i32
      %dma_start3A_550 = arith.constant 4 : i32
      %dma_start3A_551 = arith.constant 0 : i32
      %dma_start3A_552 = arith.constant 0 : i32
      %dma_start3A_553 = tpu.memref_slice %arg8[%dma_start3A_549, %dma_start3A_551, %dma_start3A_552] : memref<5x256x64xf32, #tpu.memory_space<vmem>> -> memref<1x256x64xf32, #tpu.memory_space<vmem>>
      %dma_start3A_554 = tpu.memref_squeeze %dma_start3A_553 : memref<1x256x64xf32, #tpu.memory_space<vmem>> -> memref<256x64xf32, #tpu.memory_space<vmem>>
      %dma_start3A_555 = arith.constant 0 : i32
      %dma_start3A_556 = tpu.memref_slice %arg5[%add3A_548, %dma_start3A_555] : memref<819200x128xf32, #tpu.memory_space<hbm>> -> memref<256x64xf32, #tpu.memory_space<hbm>>
      %dma_start3A_557 = tpu.memref_slice %arg10[%dma_start3A_550] : memref<5x!tpu.dma_semaphore, #tpu.memory_space<semaphore_mem>> -> memref<1x!tpu.dma_semaphore, #tpu.memory_space<semaphore_mem>>
      %dma_start3A_558 = tpu.memref_squeeze %dma_start3A_557 : memref<1x!tpu.dma_semaphore, #tpu.memory_space<semaphore_mem>> -> memref<!tpu.dma_semaphore, #tpu.memory_space<semaphore_mem>>
      %dma_start3A_559 = arith.constant 0 : i32
      %dma_start3A_560 = tpu.memref_slice %arg5[%add3A_548, %dma_start3A_559] : memref<819200x128xf32, #tpu.memory_space<hbm>> -> memref<256x64xf32, #tpu.memory_space<hbm>>
      %dma_start3A_561 = arith.constant 0 : i32
      %dma_start3A_562 = arith.constant 0 : i32
      %dma_start3A_563 = tpu.memref_slice %arg8[%dma_start3A_549, %dma_start3A_561, %dma_start3A_562] : memref<5x256x64xf32, #tpu.memory_space<vmem>> -> memref<1x256x64xf32, #tpu.memory_space<vmem>>
      %dma_start3A_564 = tpu.memref_squeeze %dma_start3A_563 : memref<1x256x64xf32, #tpu.memory_space<vmem>> -> memref<256x64xf32, #tpu.memory_space<vmem>>
      tpu.enqueue_dma source(%dma_start3A_564 : memref<256x64xf32, #tpu.memory_space<vmem>>) target(%dma_start3A_560 : memref<256x64xf32, #tpu.memory_space<hbm>>) target_semaphore(%dma_start3A_558 : memref<!tpu.dma_semaphore, #tpu.memory_space<semaphore_mem>>)
    }
    %scan3A_177 = arith.constant 20 : i32
    %add3A_178 = arith.constant 24320 : i32
    %add3A_179 = arith.addi %mul3A_4, %add3A_178 : i32
    %dma_wait3A_180 = arith.constant 0 : i32
    %dma_wait3A_181 = arith.constant 0 : i32
    %dma_wait3A_182 = arith.constant 0 : i32
    %dma_wait3A_183 = arith.constant 0 : i32
    %dma_wait3A_184 = tpu.memref_slice %arg8[%dma_wait3A_180, %dma_wait3A_182, %dma_wait3A_183] : memref<5x256x64xf32, #tpu.memory_space<vmem>> -> memref<1x256x64xf32, #tpu.memory_space<vmem>>
    %dma_wait3A_185 = tpu.memref_squeeze %dma_wait3A_184 : memref<1x256x64xf32, #tpu.memory_space<vmem>> -> memref<256x64xf32, #tpu.memory_space<vmem>>
    %dma_wait3A_186 = arith.constant 0 : i32
    %dma_wait3A_187 = tpu.memref_slice %arg5[%add3A_179, %dma_wait3A_186] : memref<819200x128xf32, #tpu.memory_space<hbm>> -> memref<256x64xf32, #tpu.memory_space<hbm>>
    %dma_wait3A_188 = tpu.memref_slice %arg10[%dma_wait3A_181] : memref<5x!tpu.dma_semaphore, #tpu.memory_space<semaphore_mem>> -> memref<1x!tpu.dma_semaphore, #tpu.memory_space<semaphore_mem>>
    %dma_wait3A_189 = tpu.memref_squeeze %dma_wait3A_188 : memref<1x!tpu.dma_semaphore, #tpu.memory_space<semaphore_mem>> -> memref<!tpu.dma_semaphore, #tpu.memory_space<semaphore_mem>>
    %dma_wait3A_190 = arith.constant 0 : i32
    %dma_wait3A_191 = tpu.memref_slice %arg5[%add3A_179, %dma_wait3A_190] : memref<819200x128xf32, #tpu.memory_space<hbm>> -> memref<256x64xf32, #tpu.memory_space<hbm>>
    %dma_wait3A_192 = arith.constant 0 : i32
    %dma_wait3A_193 = arith.constant 0 : i32
    %dma_wait3A_194 = tpu.memref_slice %arg8[%dma_wait3A_180, %dma_wait3A_192, %dma_wait3A_193] : memref<5x256x64xf32, #tpu.memory_space<vmem>> -> memref<1x256x64xf32, #tpu.memory_space<vmem>>
    %dma_wait3A_195 = tpu.memref_squeeze %dma_wait3A_194 : memref<1x256x64xf32, #tpu.memory_space<vmem>> -> memref<256x64xf32, #tpu.memory_space<vmem>>
    tpu.wait_dma2 semaphore(%dma_wait3A_189 : memref<!tpu.dma_semaphore, #tpu.memory_space<semaphore_mem>>) src(%dma_wait3A_195 : memref<256x64xf32, #tpu.memory_space<vmem>>) dst(%dma_wait3A_191 : memref<256x64xf32, #tpu.memory_space<hbm>>)
    %add3A_196 = arith.constant 24576 : i32
    %add3A_197 = arith.addi %mul3A_4, %add3A_196 : i32
    %dma_wait3A_198 = arith.constant 1 : i32
    %dma_wait3A_199 = arith.constant 1 : i32
    %dma_wait3A_200 = arith.constant 0 : i32
    %dma_wait3A_201 = arith.constant 0 : i32
    %dma_wait3A_202 = tpu.memref_slice %arg8[%dma_wait3A_198, %dma_wait3A_200, %dma_wait3A_201] : memref<5x256x64xf32, #tpu.memory_space<vmem>> -> memref<1x256x64xf32, #tpu.memory_space<vmem>>
    %dma_wait3A_203 = tpu.memref_squeeze %dma_wait3A_202 : memref<1x256x64xf32, #tpu.memory_space<vmem>> -> memref<256x64xf32, #tpu.memory_space<vmem>>
    %dma_wait3A_204 = arith.constant 0 : i32
    %dma_wait3A_205 = tpu.memref_slice %arg5[%add3A_197, %dma_wait3A_204] : memref<819200x128xf32, #tpu.memory_space<hbm>> -> memref<256x64xf32, #tpu.memory_space<hbm>>
    %dma_wait3A_206 = tpu.memref_slice %arg10[%dma_wait3A_199] : memref<5x!tpu.dma_semaphore, #tpu.memory_space<semaphore_mem>> -> memref<1x!tpu.dma_semaphore, #tpu.memory_space<semaphore_mem>>
    %dma_wait3A_207 = tpu.memref_squeeze %dma_wait3A_206 : memref<1x!tpu.dma_semaphore, #tpu.memory_space<semaphore_mem>> -> memref<!tpu.dma_semaphore, #tpu.memory_space<semaphore_mem>>
    %dma_wait3A_208 = arith.constant 0 : i32
    %dma_wait3A_209 = tpu.memref_slice %arg5[%add3A_197, %dma_wait3A_208] : memref<819200x128xf32, #tpu.memory_space<hbm>> -> memref<256x64xf32, #tpu.memory_space<hbm>>
    %dma_wait3A_210 = arith.constant 0 : i32
    %dma_wait3A_211 = arith.constant 0 : i32
    %dma_wait3A_212 = tpu.memref_slice %arg8[%dma_wait3A_198, %dma_wait3A_210, %dma_wait3A_211] : memref<5x256x64xf32, #tpu.memory_space<vmem>> -> memref<1x256x64xf32, #tpu.memory_space<vmem>>
    %dma_wait3A_213 = tpu.memref_squeeze %dma_wait3A_212 : memref<1x256x64xf32, #tpu.memory_space<vmem>> -> memref<256x64xf32, #tpu.memory_space<vmem>>
    tpu.wait_dma2 semaphore(%dma_wait3A_207 : memref<!tpu.dma_semaphore, #tpu.memory_space<semaphore_mem>>) src(%dma_wait3A_213 : memref<256x64xf32, #tpu.memory_space<vmem>>) dst(%dma_wait3A_209 : memref<256x64xf32, #tpu.memory_space<hbm>>)
    %add3A_214 = arith.constant 24832 : i32
    %add3A_215 = arith.addi %mul3A_4, %add3A_214 : i32
    %dma_wait3A_216 = arith.constant 2 : i32
    %dma_wait3A_217 = arith.constant 2 : i32
    %dma_wait3A_218 = arith.constant 0 : i32
    %dma_wait3A_219 = arith.constant 0 : i32
    %dma_wait3A_220 = tpu.memref_slice %arg8[%dma_wait3A_216, %dma_wait3A_218, %dma_wait3A_219] : memref<5x256x64xf32, #tpu.memory_space<vmem>> -> memref<1x256x64xf32, #tpu.memory_space<vmem>>
    %dma_wait3A_221 = tpu.memref_squeeze %dma_wait3A_220 : memref<1x256x64xf32, #tpu.memory_space<vmem>> -> memref<256x64xf32, #tpu.memory_space<vmem>>
    %dma_wait3A_222 = arith.constant 0 : i32
    %dma_wait3A_223 = tpu.memref_slice %arg5[%add3A_215, %dma_wait3A_222] : memref<819200x128xf32, #tpu.memory_space<hbm>> -> memref<256x64xf32, #tpu.memory_space<hbm>>
    %dma_wait3A_224 = tpu.memref_slice %arg10[%dma_wait3A_217] : memref<5x!tpu.dma_semaphore, #tpu.memory_space<semaphore_mem>> -> memref<1x!tpu.dma_semaphore, #tpu.memory_space<semaphore_mem>>
    %dma_wait3A_225 = tpu.memref_squeeze %dma_wait3A_224 : memref<1x!tpu.dma_semaphore, #tpu.memory_space<semaphore_mem>> -> memref<!tpu.dma_semaphore, #tpu.memory_space<semaphore_mem>>
    %dma_wait3A_226 = arith.constant 0 : i32
    %dma_wait3A_227 = tpu.memref_slice %arg5[%add3A_215, %dma_wait3A_226] : memref<819200x128xf32, #tpu.memory_space<hbm>> -> memref<256x64xf32, #tpu.memory_space<hbm>>
    %dma_wait3A_228 = arith.constant 0 : i32
    %dma_wait3A_229 = arith.constant 0 : i32
    %dma_wait3A_230 = tpu.memref_slice %arg8[%dma_wait3A_216, %dma_wait3A_228, %dma_wait3A_229] : memref<5x256x64xf32, #tpu.memory_space<vmem>> -> memref<1x256x64xf32, #tpu.memory_space<vmem>>
    %dma_wait3A_231 = tpu.memref_squeeze %dma_wait3A_230 : memref<1x256x64xf32, #tpu.memory_space<vmem>> -> memref<256x64xf32, #tpu.memory_space<vmem>>
    tpu.wait_dma2 semaphore(%dma_wait3A_225 : memref<!tpu.dma_semaphore, #tpu.memory_space<semaphore_mem>>) src(%dma_wait3A_231 : memref<256x64xf32, #tpu.memory_space<vmem>>) dst(%dma_wait3A_227 : memref<256x64xf32, #tpu.memory_space<hbm>>)
    %add3A_232 = arith.constant 25088 : i32
    %add3A_233 = arith.addi %mul3A_4, %add3A_232 : i32
    %dma_wait3A_234 = arith.constant 3 : i32
    %dma_wait3A_235 = arith.constant 3 : i32
    %dma_wait3A_236 = arith.constant 0 : i32
    %dma_wait3A_237 = arith.constant 0 : i32
    %dma_wait3A_238 = tpu.memref_slice %arg8[%dma_wait3A_234, %dma_wait3A_236, %dma_wait3A_237] : memref<5x256x64xf32, #tpu.memory_space<vmem>> -> memref<1x256x64xf32, #tpu.memory_space<vmem>>
    %dma_wait3A_239 = tpu.memref_squeeze %dma_wait3A_238 : memref<1x256x64xf32, #tpu.memory_space<vmem>> -> memref<256x64xf32, #tpu.memory_space<vmem>>
    %dma_wait3A_240 = arith.constant 0 : i32
    %dma_wait3A_241 = tpu.memref_slice %arg5[%add3A_233, %dma_wait3A_240] : memref<819200x128xf32, #tpu.memory_space<hbm>> -> memref<256x64xf32, #tpu.memory_space<hbm>>
    %dma_wait3A_242 = tpu.memref_slice %arg10[%dma_wait3A_235] : memref<5x!tpu.dma_semaphore, #tpu.memory_space<semaphore_mem>> -> memref<1x!tpu.dma_semaphore, #tpu.memory_space<semaphore_mem>>
    %dma_wait3A_243 = tpu.memref_squeeze %dma_wait3A_242 : memref<1x!tpu.dma_semaphore, #tpu.memory_space<semaphore_mem>> -> memref<!tpu.dma_semaphore, #tpu.memory_space<semaphore_mem>>
    %dma_wait3A_244 = arith.constant 0 : i32
    %dma_wait3A_245 = tpu.memref_slice %arg5[%add3A_233, %dma_wait3A_244] : memref<819200x128xf32, #tpu.memory_space<hbm>> -> memref<256x64xf32, #tpu.memory_space<hbm>>
    %dma_wait3A_246 = arith.constant 0 : i32
    %dma_wait3A_247 = arith.constant 0 : i32
    %dma_wait3A_248 = tpu.memref_slice %arg8[%dma_wait3A_234, %dma_wait3A_246, %dma_wait3A_247] : memref<5x256x64xf32, #tpu.memory_space<vmem>> -> memref<1x256x64xf32, #tpu.memory_space<vmem>>
    %dma_wait3A_249 = tpu.memref_squeeze %dma_wait3A_248 : memref<1x256x64xf32, #tpu.memory_space<vmem>> -> memref<256x64xf32, #tpu.memory_space<vmem>>
    tpu.wait_dma2 semaphore(%dma_wait3A_243 : memref<!tpu.dma_semaphore, #tpu.memory_space<semaphore_mem>>) src(%dma_wait3A_249 : memref<256x64xf32, #tpu.memory_space<vmem>>) dst(%dma_wait3A_245 : memref<256x64xf32, #tpu.memory_space<hbm>>)
    %add3A_250 = arith.constant 25344 : i32
    %add3A_251 = arith.addi %mul3A_4, %add3A_250 : i32
    %dma_wait3A_252 = arith.constant 4 : i32
    %dma_wait3A_253 = arith.constant 4 : i32
    %dma_wait3A_254 = arith.constant 0 : i32
    %dma_wait3A_255 = arith.constant 0 : i32
    %dma_wait3A_256 = tpu.memref_slice %arg8[%dma_wait3A_252, %dma_wait3A_254, %dma_wait3A_255] : memref<5x256x64xf32, #tpu.memory_space<vmem>> -> memref<1x256x64xf32, #tpu.memory_space<vmem>>
    %dma_wait3A_257 = tpu.memref_squeeze %dma_wait3A_256 : memref<1x256x64xf32, #tpu.memory_space<vmem>> -> memref<256x64xf32, #tpu.memory_space<vmem>>
    %dma_wait3A_258 = arith.constant 0 : i32
    %dma_wait3A_259 = tpu.memref_slice %arg5[%add3A_251, %dma_wait3A_258] : memref<819200x128xf32, #tpu.memory_space<hbm>> -> memref<256x64xf32, #tpu.memory_space<hbm>>
    %dma_wait3A_260 = tpu.memref_slice %arg10[%dma_wait3A_253] : memref<5x!tpu.dma_semaphore, #tpu.memory_space<semaphore_mem>> -> memref<1x!tpu.dma_semaphore, #tpu.memory_space<semaphore_mem>>
    %dma_wait3A_261 = tpu.memref_squeeze %dma_wait3A_260 : memref<1x!tpu.dma_semaphore, #tpu.memory_space<semaphore_mem>> -> memref<!tpu.dma_semaphore, #tpu.memory_space<semaphore_mem>>
    %dma_wait3A_262 = arith.constant 0 : i32
    %dma_wait3A_263 = tpu.memref_slice %arg5[%add3A_251, %dma_wait3A_262] : memref<819200x128xf32, #tpu.memory_space<hbm>> -> memref<256x64xf32, #tpu.memory_space<hbm>>
    %dma_wait3A_264 = arith.constant 0 : i32
    %dma_wait3A_265 = arith.constant 0 : i32
    %dma_wait3A_266 = tpu.memref_slice %arg8[%dma_wait3A_252, %dma_wait3A_264, %dma_wait3A_265] : memref<5x256x64xf32, #tpu.memory_space<vmem>> -> memref<1x256x64xf32, #tpu.memory_space<vmem>>
    %dma_wait3A_267 = tpu.memref_squeeze %dma_wait3A_266 : memref<1x256x64xf32, #tpu.memory_space<vmem>> -> memref<256x64xf32, #tpu.memory_space<vmem>>
    tpu.wait_dma2 semaphore(%dma_wait3A_261 : memref<!tpu.dma_semaphore, #tpu.memory_space<semaphore_mem>>) src(%dma_wait3A_267 : memref<256x64xf32, #tpu.memory_space<vmem>>) dst(%dma_wait3A_263 : memref<256x64xf32, #tpu.memory_space<hbm>>)
    return
  }
}

</mosaic_0001>

<sc_bundles>
// kernel: _embed.3.cloned.1.call-start
scs
__scs_entry_jumppad:
0x0: {  	(pc) =	sbr.rel $0x88, $3  }
0x1: {  	(tag) =	ssettag $0x0;
	lr =	simm.s32 $0x1  }
0x2: {  	[smem:$0x3F9E] =	sst lr;
	_ =	strace $0xD0000000  }
0x3: {  	_ = 	snop  }
0x4: {  	_ = 	snop  }
0x5: {  	_ = 	snop  }
0x6: {  	_ = 	snop  }
0x7: {  	_ = 	snop  }
__scs_overlays_trampoline_lowered:
0x8: {  	[smem:$0x3FAD] =	sst s0  }
0x9: {  	[smem:$0x3FAE] =	sst s1  }
0xa: {  	[smem:$0x3FAF] =	sst s2  }
0xb: {  	[smem:$0x3FB0] =	sst s3  }
0xc: {  	[smem:$0x3FB1] =	sst s4  }
0xd: {  	[smem:$0x3FB2] =	sst s5  }
0xe: {  	[smem:$0x3FB3] =	sst s6  }
0xf: {  	[smem:$0x3FB4] =	sst s7  }
0x10: {  	[smem:$0x3FB5] =	sst s8  }
0x11: {  	[smem:$0x3FB6] =	sst s9;
	s0 =	simm.s32 @!p0 $0x0  }
0x12: {  	s1 =	sld [smem:$0x3F9C];
	s0 =	simm.s32 @p0 $0x1  }
0x13: {  	[smem:$0x3FB7] =	sst s0;
	s0 =	simm.s32 @!p1 $0x0  }
0x14: {  	s2 =	sld [smem:$0x3F9B];
	s0 =	simm.s32 @p1 $0x1  }
0x15: {  	[smem:$0x3FB8] =	sst s0;
	s0 =	simm.s32 @!p2 $0x0  }
0x16: {  	s3 =	sld [smem:$0x3FDB];
	s0 =	simm.s32 @p2 $0x1  }
0x17: {  	s4 =	simm.s32 $0x1BF5;
	[smem:$0x3FBA] =	sst s0  }
0x18: {  	s0 =	sld [smem:$0x3F9D];
	_ =	swait.ge [sflag:s4], $0x0  }
0x19: {  	s7 =	sld [smem:$0x3F9E]  }
0x1a: {  	s8 =	sadd.s32 $0xFFFFE003, lr  }
0x1b: {  	s9 =	sadd.s32 $0xFFFFFEF7, lr;
	s5 =	simm.s32 $0xFFFFFFFF;
	p2 =	slt.u32 s8, $0xFFFFF086  }
0x1c: {  	p1 =	slt.u32 s9, $0xF7A;
	s5 =	simm.s32 @!p2 $0x0  }
0x1d: {  	s5 =	simm.s32 @p1 $0x1;
	p0 =	seq.s32 s7, s2  }
0x1e: {  	s7 =	smul.u32 @!p0 $0xF7A, s2;
	p2 =	seq.s32 @!p0 s5, $0x0  }
0x1f: {  	s9 =	smul.u32 $0xF7A, s1;
	s8 =	simm.s32 @!p0 $0x1BF5;
	p2 =	por !p2, p0  }
0x20: {  	[sflag:s8] =	ssyncset.s32 @!p0 $0xFFFFF086;
	s6 =	sadd.s32 @!p0 s3, s7;
	s7 =	simm.s32 @!p0 $0x108  }
0x21: {  	s3 =	sadd.s32 s3, s9;
	s6 =	sadd.s32 @!p0 $0x88, s6;
	s7 =	simm.s32 @p2 $0x1082  }
0x22: {  	[simem:s7], [sflag:s8] =	dma.local @!p0 [hbm:s6], $0xF7A  }
0x23: {  	s9 =	sor.u32 $0xD0000000, s2;
	s6 =	simm.s32 $0x108;
	_ =	swait.ge @!p0 [sflag:s8], $0x0  }
0x24: {  	s3 =	sadd.s32 $0x88, s3;
	s6 =	simm.s32 @!p1 $0x1082;
	[sflag:s4] =	ssyncset.s32 $0xFFFFF086  }
0x25: {  	[simem:s6], [sflag:s4] =	dma.local [hbm:s3], $0xF7A  }
0x26: {  	[smem:$0x3F9E] =	sst s1;
	(tag) =	ssettag s2;
	_ =	strace s9  }
0x27: {  	s1 =	sld [smem:$0x3FAE]  }
0x28: {  	s2 =	sld [smem:$0x3FAF]  }
0x29: {  	s4 =	sld [smem:$0x3FB1]  }
0x2a: {  	p0 =	seq.s32 s5, $0x0;
	s5 =	sld [smem:$0x3FB2]  }
0x2b: {  	s6 =	sld [smem:$0x3FB3]  }
0x2c: {  	s7 =	sld [smem:$0x3FB4]  }
0x2d: {  	s3 =	simm.s32 $0x108;
	s8 =	sld [smem:$0x3FB5]  }
0x2e: {  	s3 =	simm.s32 @!p0 $0x1082;
	s9 =	sld [smem:$0x3FB6]  }
0x2f: {  	lr =	sadd.s32 s0, s3;
	s0 =	sld [smem:$0x3FAD]  }
0x30: {  	s3 =	sld [smem:$0x3FB0]  }
0x31: {  	[smem:$0x3FB9] =	sst s10  }
0x32: {  	s10 =	sld [smem:$0x3FB7];
	_ =	sdelay $0x3  }
0x33: {  	p0 =	seq.s32 s10, $0x1;
	s10 =	sld [smem:$0x3FB9];
	_ =	sdelay $0x3  }
0x34: {  	[smem:$0x3FB9] =	sst s10  }
0x35: {  	s10 =	sld [smem:$0x3FB8];
	_ =	sdelay $0x3  }
0x36: {  	p1 =	seq.s32 s10, $0x1;
	s10 =	sld [smem:$0x3FB9];
	_ =	sdelay $0x3  }
0x37: {  	[smem:$0x3FB9] =	sst s10  }
0x38: {  	s10 =	sld [smem:$0x3FBA]  }
0x39: {  	_ = 	snop;
	(pc) =	sbr.ind lr, $3  }
0x3a: {  	_ = 	snop  }
0x3b: {  	_ = 	snop  }
0x3c: {  	p2 =	seq.s32 s10, $0x1;
	s10 =	sld [smem:$0x3FB9]  }
0x3d: {  	_ =	shalt  }
0x3e: {  	_ =	shalt  }
0x3f: {  	_ =	shalt  }
0x40: {  	_ =	shalt  }
0x41: {  	_ =	shalt  }
0x42: {  	_ =	shalt  }
0x43: {  	_ =	shalt  }
0x44: {  	_ =	shalt  }
0x45: {  	_ =	shalt  }
0x46: {  	_ =	shalt  }
0x47: {  	_ =	shalt  }
0x48: {  	_ =	shalt  }
0x49: {  	_ =	shalt  }
0x4a: {  	_ =	shalt  }
0x4b: {  	_ =	shalt  }
0x4c: {  	_ =	shalt  }
0x4d: {  	_ =	shalt  }
0x4e: {  	_ =	shalt  }
0x4f: {  	_ =	shalt  }
0x50: {  	_ =	shalt  }
0x51: {  	_ =	shalt  }
0x52: {  	_ =	shalt  }
0x53: {  	_ =	shalt  }
0x54: {  	_ =	shalt  }
0x55: {  	_ =	shalt  }
0x56: {  	_ =	shalt  }
0x57: {  	_ =	shalt  }
0x58: {  	_ =	shalt  }
0x59: {  	_ =	shalt  }
0x5a: {  	_ =	shalt  }
0x5b: {  	_ =	shalt  }
0x5c: {  	_ =	shalt  }
0x5d: {  	_ =	shalt  }
0x5e: {  	_ =	shalt  }
0x5f: {  	_ =	shalt  }
0x60: {  	_ =	shalt  }
0x61: {  	_ =	shalt  }
0x62: {  	_ =	shalt  }
0x63: {  	_ =	shalt  }
0x64: {  	_ =	shalt  }
0x65: {  	_ =	shalt  }
0x66: {  	_ =	shalt  }
0x67: {  	_ =	shalt  }
0x68: {  	_ =	shalt  }
0x69: {  	_ =	shalt  }
0x6a: {  	_ =	shalt  }
0x6b: {  	_ =	shalt  }
0x6c: {  	_ =	shalt  }
0x6d: {  	_ =	shalt  }
0x6e: {  	_ =	shalt  }
0x6f: {  	_ =	shalt  }
0x70: {  	_ =	shalt  }
0x71: {  	_ =	shalt  }
0x72: {  	_ =	shalt  }
0x73: {  	_ =	shalt  }
0x74: {  	_ =	shalt  }
0x75: {  	_ =	shalt  }
0x76: {  	_ =	shalt  }
0x77: {  	_ =	shalt  }
0x78: {  	_ =	shalt  }
0x79: {  	_ =	shalt  }
0x7a: {  	_ =	shalt  }
0x7b: {  	_ =	shalt  }
0x7c: {  	_ =	shalt  }
0x7d: {  	_ =	shalt  }
0x7e: {  	_ =	shalt  }
0x7f: {  	_ =	shalt  }
0x80: {  	_ =	shalt  }
0x81: {  	_ =	shalt  }
0x82: {  	_ =	shalt  }
0x83: {  	_ =	shalt  }
0x84: {  	_ =	shalt  }
0x85: {  	_ =	shalt  }
0x86: {  	_ =	shalt  }
0x87: {  	_ =	shalt  }
.Lfunc_end0:
.L_simem_size_0:
called_computation_lowered:
.L_overlay_start_0:
0x88: {  	s2 =	sld [smem:$0x3FD9]  }
0x89: {  	s3 =	sld [smem:$0x3FFE];
	_ =	sdelay $0x1  }
0x8a: {  	s1 =	srdreg.scid  }
0x8b: {  	s0 =	sand.u32 $0x1, s1  }
0x8c: {  	s17 =	sshll.u32 s0, $0xA;
	s2 =	sadd.s32 s3, s2  }
0x8d: {  	s2 =	sadd.s32 s2, s17  }
0x8e: {  	[smem:$0x3FC5] =	sst s2  }
0x8f: {  	_ = 	snop  }
0x90: {  	s2 =	sld [smem:$0x3FD0];
	(tm) =	ssettm $0x1  }
0x91: {  	s18 =	sld [smem:$0x3FFB];
	_ =	sdelay $0x3  }
0x92: {  	_ =	strace s18  }
0x93: {  	s3 =	sld [smem:$0x3FFC];
	_ =	sdelay $0x3  }
0x94: {  	_ =	strace s3  }
0x95: {  	s3 =	sld [smem:$0x3FFD];
	_ =	sdelay $0x3  }
0x96: {  	_ =	strace s3  }
0x97: {  	_ =	strace $0x8FFFFFFF  }
0x98: {  	s19 =	sld [smem:$0x3FDB];
	_ =	sdelay $0x1  }
0x99: {  	s4 =	simm.s32 $_scs_section_size  }
0x9a: {  	s5 =	simm.s32 $_size__tile_overlayer_lowered;
	s6 =	simm.s32 $_tile_overlayer_lowered  }
0x9b: {  	s22 =	simm.s32 $0x1BFF;
	s21 =	sshll.u32 s6, $0x1;
	s3 =	sadd.s32 s4, s19  }
0x9c: {  	s7 =	simm.s32 $0x0;
	s20 =	sshll.u32 s5, $0x1;
	s5 =	sadd.s32 s21, s3  }
0x9d: {  	[timem:s7], [sflag:s22] =	dma.local [hbm:s5], s20  }
0x9e: {  	_ =	swait.ge [sflag:s22], s20  }
0x9f: {  	s4 =	ssub.s32 $0x0, s20;
	[sflag:s22] =	ssyncset.done $0x0  }
0xa0: {  	[sflag:s22] =	ssyncadd.s32 s4;
	_ =	sdelay $0x1  }
0xa1: {  	s23 =	simm.s32 $0x1B8B  }
0xa2: {  	_ =	swait.ge [sflag:s23], $0x1  }
0xa3: {  	[sflag:s23] =	ssyncset.done $0x0  }
0xa4: {  	s25 =	simm.s32 $0x1B8E;
	s24 =	sld [smem:$0x3FFE];
	[sflag:s23] =	ssyncadd.s32 $0xFFFFFFFF  }
0xa5: {  	s26 =	simm.s32 $execute0_lowered;
	[smem:$0x3FD2] =	sst s25  }
0xa6: {  	s5 =	sshll.u32 s26, $0x1;
	_ =	strace $0x80000046;
	[dreg:$0x1] =	wrdreg $0xFFFFFFFF  }
0xa7: {  	s28 =	simm.s32 $_size_execute0_lowered;
	s3 =	sadd.s32 s3, s5;
	[dreg:$0x0] =	wrdreg $0x0  }
0xa8: {  	s5 =	sshll.u32 s28, $0x1;
	[dreg:$0x2] =	wrdreg s3  }
0xa9: {  	[dreg:$0x3] =	wrdreg s5  }
0xaa: {  	[dreg:$0x4] =	wrdreg $0xC0  }
0xab: {  	_ =	task [dreg:s7], $0x5FFFF  }
0xac: {  	[dreg:$0x1] =	wrdreg $0xFFFFFFFF  }
0xad: {  	[dreg:$0x0] =	wrdreg $0x60  }
0xae: {  	[dreg:$0x2] =	wrdreg s24  }
0xaf: {  	[dreg:$0x3] =	wrdreg s2  }
0xb0: {  	[dreg:$0x4] =	wrdreg $0x64000  }
0xb1: {  	[dreg:$0x5] =	wrdreg $0x9  }
0xb2: {  	_ =	task.clear_ibuf [dreg:s7], $0x6FFFF;
	_ =	strace $0x90000046  }
0xb3: {  	s29 =	simm.s32 $0x9;
	_ =	strace $0x80000048  }
0xb4: {  	_ =	swait.ge [sflag:s29], $0x1  }
0xb5: {  	[sflag:s29] =	ssyncadd.s32 $0xFFFFFFFF  }
0xb6: {  	_ =	strace $0x90000048  }
0xb7: {  	_ =	sfence  }
0xb8: {  	s30 =	sld [smem:$0x0];
	_ =	sdelay $0x2  }
0xb9: {  	s31 =	sshll.u32 s1, $0xD;
	s1 =	sshrl.u32 s1, $0x2  }
0xba: {  	s3 =	sand.u32 $0x4000, s31;
	s1 =	sadd.s32 s1, s30  }
0xbb: {  	s0 =	sor.u32 s3, s0;
	s1 =	sshll.u32 s1, $0x11  }
0xbc: {  	s0 =	sor.u32 s1, s0  }
0xbd: {  	s0 =	sadd.s32 $0x8F2B, s0  }
0xbe: {  	[sflag:s0] =	ssyncadd.remote.s32 $0x1  }
0xbf: {  	_ =	sfence.sel $0xFFFF  }
0xc0: {  	[dreg:$0x0] =	wrdreg $0xFFFFFFFF;
	(pc) =	sbr.abs _section_cstart, $3  }
0xc1: {  	[dreg:$0x1] =	wrdreg $0xFFFFFFFF  }
0xc2: {  	_ =	task.clear_ibuf [dreg:s7], $0x2FFFF;
	_ =	strace $0x9FFFFFFF  }
0xc3: {  	(tm) =	ssettm $0x7FFFFFFF  }
tec
execute0_lowered:
.L_overlay_start_1:
0x0: {  	(tag) =	ssettag $0x1  }
0x1: {  	s0 =	rddreg [dreg:$0x0]  }
0x2: {  	s2 =	rddreg [dreg:$0x1];
	s3 =	srdreg.scid  }
0x3: {  	s4 =	stileid.u32;
	s1 =	rddreg [dreg:$0x2];
	s6 =	simm.s32 $0x0  }
0x4: {  	s28 =	simm.s32 $0x100;
	s30 =	simm.s32 $0x40;
	s31 =	simm.s32 $0x80  }
0x5: {  	s5 =	sand.u32 $0x1, s3;
	s12 =	sshll.u32 s4, $0x1;
	s7 =	smul.u32 $0xC800, s4  }
0x6: {  	[smem:$0x7FF] =	sst s6;
	s16 =	sadd.s32 $0xE00, s1;
	s19 =	smul.u32 $0x640000, s4  }
0x7: {  	s18 =	sadd.s32 $0x1C00, s1;
	s20 =	sadd.s32 $0x2A00, s1;
	s23 =	smul.u32 $0xC8000, s4  }
0x8: {  	p0 =	sne.s32 s4, $0x0;
	s4 =	simm.s32 $0xF;
	s3 =	sor.u32 s5, s12  }
0x9: {  	_ =	strace $0x80000047;
	s10 =	smul.u32 $0x6400, s5;
	[dreg:$0x6] =	wrdreg s16  }
0xa: {  	s13 =	ssub.s32 $0x2, s5;
	[dreg:$0x7] =	wrdreg s18;
	s21 =	smul.u32 $0x320000, s5  }
0xb: {  	[dreg:$0x8] =	wrdreg s20;
	s5 =	smul.u32 $0x64000, s5;
	s9 =	sshrl.u32 s13, $0x1  }
0xc: {  	s20 =	simm.s32 $0xAD60;
	s3 =	smul.u32 $0x6400, s3;
	s14 =	ssub.s32 s13, s9  }
0xd: {  	s17 =	sadd.s32 s10, s7;
	s24 =	sadd.s32 s21, s19;
	s19 =	simm.s32 $0x6D60  }
0xe: {  	s10 =	simm.s32 $0xE;
	s13 =	simm.s32 $0x3;
	s3 =	sshrl.u32 s3, $0x3  }
0xf: {  	s8 =	sadd.s32 s3, s0;
	s3 =	sadd.s32 $0x1E85000, s0;
	s0 =	sadd.s32 $0x19800, s0  }
0x10: {  	s6 =	sshll.u32 s17, $0x4;
	[dreg:$0x4] =	wrdreg s0;
	s15 =	sadd.s32 $0x800, s8  }
0x11: {  	s6 =	sadd.s32 s6, s2;
	s0 =	smax.u32 s14, $0x1;
	[dreg:$0x5] =	wrdreg s15  }
0x12: {  	s7 =	sor.u32 $0x18000, s24;
	s22 =	sadd.s32 $0x2000, s6;
	[dreg:$0x9] =	wrdreg s0  }
0x13: {  	s25 =	sshrl.u32 s7, $0x3;
	s6 =	sadd.s32 $0x1000, s6;
	[dreg:$0xa] =	wrdreg s22  }
0x14: {  	s7 =	simm.s32 $0x0;
	[dreg:$0xb] =	wrdreg s6;
	s0 =	sadd.s32 s23, s2  }
0x15: {  	s6 =	sadd.s32 $0x20000, s24;
	s22 =	simm.s32 $0xED60;
	s0 =	sadd.s32 s5, s0  }
0x16: {  	s26 =	sshrl.u32 s6, $0x3;
	[dreg:$0xc] =	wrdreg s0;
	s0 =	sadd.s32 s25, s2  }
0x17: {  	s5 =	simm.s32 $0x2;
	s29 =	sadd.s32 s26, s2;
	[dreg:$0xd] =	wrdreg s0  }
0x18: {  	s2 =	simm.s32 $0x1;
	[dreg:$0xe] =	wrdreg s29;
	s0 =	sshrl.u32 @!p0 s1, $0x3  }
0x19: {  	s25 =	simm.s32 $0x3;
	s26 =	simm.s32 $0x12D60;
	[dreg:$0xf] =	wrdreg s0  }
.LBB2_1:
0x1a: {  	[dreg:$0x10] =	wrdreg s7  }
0x1b: {  	s0 =	simm.s32 $0x0;
	s6 =	rddreg [dreg:$0x5];
	s8 =	simm.s32 $0x10  }
0x1c: {  	[tilespmem:s0], [sflag:$0x10] =	stream.linear.gather [hbm4b:s6+s0], $0x6400, $0x38;
	[tilespmem:$0x1AD60] =	vst v63  }
0x1d: {  	_ =	swait.ge [sflag:s8], $0x6400  }
0x1e: {  	[sflag:s8] =	ssyncset.done $0x0;
	s9 =	rddreg [dreg:$0xf]  }
0x1f: {  	s6 =	simm.s32 @!p0 $0x1C10;
	[sflag:s8] =	ssyncadd.s32 $0xFFFF9C00;
	s8 =	rddreg [dreg:$0x4]  }
0x20: {  	[spmem:s9], [sflag:s6] =	dma.local @!p0 [hbm:s8], $0x12C0  }
0x21: {  	s6 =	simm.s32 @!p0 $0x10  }
0x22: {  	_ =	swait.ge @!p0 [sflag:s6], $0x12C0  }
0x23: {  	[sflag:s6] =	ssyncset.done @!p0 $0x0  }
0x24: {  	[sflag:s6] =	ssyncadd.s32 @!p0 $0xFFFFED40  }
0x25: {  	[bflag:$0x0] =	sbarrier.arrive $0xFFFF  }
0x26: {  	[tilespmem:s19], [sflag:$0xB] =	stream.linear.gather [spmem:s1], $0x4000, $0x38;
	[tilespmem:$0x1AD60] =	vst v63  }
0x27: {  	s9 =	rddreg [dreg:$0x6]  }
0x28: {  	[tilespmem:s20], [sflag:$0xC] =	stream.linear.gather [spmem:s9], $0x4000, $0x38;
	[tilespmem:$0x1AD60] =	vst v63  }
0x29: {  	s11 =	rddreg [dreg:$0x7]  }
0x2a: {  	[tilespmem:s22], [sflag:$0xD] =	stream.linear.gather [spmem:s11], $0x4000, $0x38;
	[tilespmem:$0x1AD60] =	vst v63  }
0x2b: {  	s14 =	simm.s32 $0x12D60;
	s15 =	simm.s32 $0xB;
	s12 =	rddreg [dreg:$0x8]  }
0x2c: {  	[tilespmem:s14], [sflag:$0xE] =	stream.linear.gather [spmem:s12], $0x4000, $0x38;
	[tilespmem:$0x1AD60] =	vst v63  }
0x2d: {  	_ =	swait.ge [sflag:s15], $0x4000  }
0x2e: {  	s18 =	simm.s32 $0x80;
	[sflag:s15] =	ssyncset.done $0x0  }
0x2f: {  	s16 =	simm.s32 $0xC;
	s6 =	sand.u32 $0x1FE0, s18;
	[sflag:s15] =	ssyncadd.s32 $0xFFFFC000  }
0x30: {  	[tilespmem:s19], [sflag:$0x1] =	stream.indirect.gather.add.f32 [hbm:s3], $0x40, s0, s28, $0xb8;
	[tilespmem:$0x1AD60] =	vst v63  }
0x31: {  	s6 =	smul.u32 $0x147B, s6;
	_ =	swait.ge [sflag:s16], $0x4000  }
0x32: {  	s17 =	simm.s32 $0xD;
	[sflag:s16] =	ssyncset.done $0x0  }
0x33: {  	s21 =	simm.s32 $0x200;
	s6 =	sshrl.u32 s6, $0x11;
	[sflag:s16] =	ssyncadd.s32 $0xFFFFC000  }
0x34: {  	[tilespmem:s20], [sflag:$0x2] =	stream.indirect.gather.add.f32 [hbm:s3], $0x40, s28, s28, $0xb8;
	[tilespmem:$0x1AD60] =	vst v63  }
0x35: {  	p1 =	por $0x1, $0x1;
	s6 =	smul.u32 $0xC8, s6;
	_ =	swait.ge [sflag:s17], $0x4000  }
0x36: {  	p2 =	por $0x0, $0x0;
	s23 =	simm.s32 $0x300;
	[sflag:s17] =	ssyncset.done $0x0  }
0x37: {  	s7 =	simm.s32 @!p1 $0xA;
	s6 =	ssub.s32 $0x0, s6;
	[sflag:s17] =	ssyncadd.s32 $0xFFFFC000  }
0x38: {  	[tilespmem:s22], [sflag:$0x3] =	stream.indirect.gather.add.f32 [hbm:s3], $0x40, s21, s28, $0xb8;
	[tilespmem:$0x1AD60] =	vst v63  }
0x39: {  	s8 =	simm.s32 @!p2 $0xA0;
	s6 =	sshll.u32 s6, $0x6;
	_ =	swait.ge @!p1 [sflag:s7], $0x4000  }
0x3a: {  	s8 =	sand.u32 @!p2 $0x1FE0, s8;
	s6 =	sand.u32 $0x3E00, s6;
	[sflag:s7] =	ssyncset.done @!p1 $0x0  }
0x3b: {  	s6 =	sadd.s32 s6, s1;
	s0 =	simm.s32 $0x16D60;
	[sflag:s7] =	ssyncadd.s32 @!p1 $0xFFFFC000  }
0x3c: {  	[tilespmem:s0], [sflag:$0xF] =	stream.linear.gather [spmem:s6], $0x4000, $0x38;
	[tilespmem:$0x1AD60] =	vst v63  }
0x3d: {  	s24 =	simm.s32 $0x400;
	s6 =	smul.u32 @!p2 $0x147B, s8;
	_ =	swait.ge [sflag:s10], $0x4000  }
0x3e: {  	s9 =	simm.s32 @!p2 $0x6D60;
	s7 =	simm.s32 @!p2 $0xC0;
	[sflag:s10] =	ssyncset.done $0x0  }
0x3f: {  	p1 =	por p2, p2;
	s6 =	sshrl.u32 @!p2 s6, $0x11;
	[sflag:s10] =	ssyncadd.s32 $0xFFFFC000  }
0x40: {  	[tilespmem:s14], [sflag:$0x4] =	stream.indirect.gather.add.f32 [hbm:s3], $0x40, s23, s28, $0xb8;
	[tilespmem:$0x1AD60] =	vst v63  }
0x41: {  	s7 =	sand.u32 @!p2 $0x1FE0, s7;
	s6 =	smul.u32 @!p2 $0xC8, s6;
	_ =	swait.ge [sflag:s2], $0x4000  }
0x42: {  	s8 =	simm.s32 @!p2 $0x6;
	s7 =	smul.u32 @!p2 $0x147B, s7;
	[sflag:s2] =	ssyncset.done $0x0  }
0x43: {  	s6 =	ssub.s32 @!p2 $0x0, s6;
	s18 =	rddreg [dreg:$0xc];
	[sflag:s2] =	ssyncadd.s32 $0xFFFFC000  }
0x44: {  	[hbm4b:s18+s30] =	stream.strided.scatter [tilespmem:s19], [sflag:$0x6], $0x4000, s31, s30, $0x38;
	[tilespmem:$0x1AD60] =	vst v63  }
0x45: {  	s12 =	simm.s32 @!p1 $0xB;
	s6 =	sshll.u32 @!p2 s6, $0x6;
	_ =	swait.ge @!p2 [sflag:s8], $0x4000  }
0x46: {  	s7 =	sshrl.u32 @!p2 s7, $0x11;
	s6 =	sand.u32 @!p2 $0x3E00, s6;
	[sflag:s8] =	ssyncset.done @!p2 $0x0  }
0x47: {  	s7 =	smul.u32 @!p2 $0xC8, s7;
	s6 =	sadd.s32 @!p2 s6, s1;
	[sflag:s8] =	ssyncadd.s32 @!p2 $0xFFFFC000  }
0x48: {  	[tilespmem:s9], [sflag:$0xB] =	stream.linear.gather @!p2 [spmem:s6], $0x4000, $0x38;
	[tilespmem:$0x1AD60] =	vst v63  }
0x49: {  	s16 =	simm.s32 @!p1 $0x100;
	s17 =	simm.s32 @!p1 $0xC;
	_ =	swait.ge [sflag:s4], $0x4000  }
0x4a: {  	s10 =	simm.s32 @!p2 $0x7;
	s7 =	ssub.s32 @!p2 $0x0, s7;
	[sflag:s4] =	ssyncset.done $0x0  }
0x4b: {  	s14 =	simm.s32 $0x700;
	s7 =	sshll.u32 @!p2 s7, $0x6;
	[sflag:s4] =	ssyncadd.s32 $0xFFFFC000  }
0x4c: {  	[tilespmem:s0], [sflag:$0x5] =	stream.indirect.gather.add.f32 [hbm:s3], $0x40, s24, s28, $0xb8;
	[tilespmem:$0x1AD60] =	vst v63  }
0x4d: {  	s23 =	simm.s32 $0x4;
	s7 =	sand.u32 @!p2 $0x3E00, s7;
	_ =	swait.ge [sflag:s5], $0x4000  }
0x4e: {  	s7 =	sadd.s32 @!p2 s7, s1;
	s8 =	simm.s32 @!p2 $0x800;
	[sflag:s5] =	ssyncset.done $0x0  }
0x4f: {  	s6 =	simm.s32 @!p2 $0xE0;
	s15 =	rddreg [dreg:$0xb];
	[sflag:s5] =	ssyncadd.s32 $0xFFFFC000  }
0x50: {  	[hbm4b:s15+s30] =	stream.strided.scatter [tilespmem:s20], [sflag:$0x7], $0x4000, s31, s30, $0x38;
	[tilespmem:$0x1AD60] =	vst v63  }
0x51: {  	s8 =	sand.u32 @!p2 $0xFFF8, s8;
	s6 =	sand.u32 @!p2 $0x1FE0, s6;
	_ =	swait.ge @!p2 [sflag:s10], $0x4000  }
0x52: {  	s8 =	sshrl.u32 @!p2 s8, $0x3;
	s6 =	smul.u32 @!p2 $0x147B, s6;
	[sflag:s10] =	ssyncset.done @!p1 $0x0  }
0x53: {  	s11 =	smul.u32 @!p2 $0x147B, s8;
	s8 =	simm.s32 @!p1 $0xAD60;
	[sflag:s10] =	ssyncadd.s32 @!p1 $0xFFFFC000  }
0x54: {  	[tilespmem:s8], [sflag:$0xC] =	stream.linear.gather @!p1 [spmem:s7], $0x4000, $0x38;
	[tilespmem:$0x1AD60] =	vst v63  }
0x55: {  	s2 =	simm.s32 $0x1;
	s6 =	sshrl.u32 @!p2 s6, $0x11;
	_ =	swait.ge @!p1 [sflag:s12], $0x4000  }
0x56: {  	s4 =	simm.s32 $0xF;
	s6 =	smul.u32 @!p2 $0xC8, s6;
	[sflag:s12] =	ssyncset.done @!p1 $0x0  }
0x57: {  	s5 =	simm.s32 $0x2;
	s10 =	simm.s32 @!p1 $0x500;
	[sflag:s12] =	ssyncadd.s32 @!p1 $0xFFFFC000  }
0x58: {  	[tilespmem:s9], [sflag:$0x1] =	stream.indirect.gather.add.f32 @!p1 [hbm:s3], $0x40, s10, s16, $0xb8;
	[tilespmem:$0x1AD60] =	vst v63  }
0x59: {  	s6 =	ssub.s32 @!p2 $0x0, s6;
	s7 =	sshrl.u32 @!p2 s11, $0x11;
	_ =	swait.ge [sflag:s13], $0x4000  }
0x5a: {  	s24 =	sadd.s32 $0x5000, s15;
	s7 =	smul.u32 @!p2 $0xC8, s7;
	[sflag:s13] =	ssyncset.done $0x0  }
0x5b: {  	s9 =	simm.s32 @!p1 $0x8;
	s29 =	rddreg [dreg:$0xa];
	[sflag:s13] =	ssyncadd.s32 $0xFFFFC000  }
0x5c: {  	[hbm4b:s29+s30] =	stream.strided.scatter [tilespmem:s22], [sflag:$0x8], $0x4000, s31, s30, $0x38;
	[tilespmem:$0x1AD60] =	vst v63  }
0x5d: {  	s6 =	sshll.u32 @!p2 s6, $0x6;
	s7 =	ssub.s32 @!p2 $0x800, s7;
	_ =	swait.ge @!p1 [sflag:s9], $0x4000  }
0x5e: {  	s6 =	sand.u32 @!p2 $0x3E00, s6;
	s7 =	sshll.u32 @!p2 s7, $0x6;
	[sflag:s9] =	ssyncset.done @!p1 $0x0  }
0x5f: {  	s10 =	sadd.s32 @!p2 s6, s1;
	s6 =	simm.s32 @!p1 $0xED60;
	[sflag:s9] =	ssyncadd.s32 @!p1 $0xFFFFC000  }
0x60: {  	[tilespmem:s6], [sflag:$0xD] =	stream.linear.gather @!p1 [spmem:s10], $0x4000, $0x38;
	[tilespmem:$0x1AD60] =	vst v63  }
0x61: {  	s12 =	smov.u32 s18;
	s7 =	sand.u32 @!p2 $0x3FC0, s7;
	_ =	swait.ge @!p1 [sflag:s17], $0x4000  }
0x62: {  	s11 =	sadd.s32 @!p2 s7, s1;
	s7 =	simm.s32 $0x0;
	s21 =	rddreg [dreg:$0xd]  }
0x63: {  	s9 =	simm.s32 $0x700;
	s10 =	smov.u32 s29;
	s15 =	rddreg [dreg:$0xe]  }
.LBB2_2:
0x64: {  	[sflag:s17] =	ssyncset.done @!p1 $0x0  }
0x65: {  	s12 =	sadd.s32 $0x5000, s12;
	s13 =	smov.u32 s23;
	s23 =	sadd.s32 $0x5, s23  }
0x66: {  	s7 =	sadd.s32 $0x500, s7;
	s0 =	simm.s32 $0x4;
	s18 =	simm.s32 @!p1 $0x9  }
0x67: {  	s29 =	simm.s32 $0x100;
	[sflag:s17] =	ssyncadd.s32 @!p1 $0xFFFFC000;
	s17 =	sadd.s32 @!p1 $0xFFFFFF00, s14  }
0x68: {  	[tilespmem:s8], [sflag:$0x2] =	stream.indirect.gather.add.f32 @!p1 [hbm:s3], $0x40, s17, s16, $0xb8;
	[tilespmem:$0x1AD60] =	vst v63  }
0x69: {  	s14 =	sadd.s32 $0x500, s14;
	s8 =	sshll.u32 s23, $0x5;
	_ =	swait.ge [sflag:s0], $0x4000  }
0x6a: {  	s17 =	simm.s32 @!p1 $0xD;
	s8 =	sand.u32 $0x1FE0, s8;
	[sflag:s0] =	ssyncset.done $0x0  }
0x6b: {  	s28 =	simm.s32 $0x12D60;
	s8 =	smul.u32 $0x147B, s8;
	[sflag:s0] =	ssyncadd.s32 $0xFFFFC000  }
0x6c: {  	[hbm4b:s21+s30] =	stream.strided.scatter [tilespmem:s28], [sflag:$0x9], $0x4000, s31, s30, $0x38;
	[tilespmem:$0x1AD60] =	vst v63  }
0x6d: {  	s19 =	simm.s32 @!p1 $0x12D60;
	p3 =	sgt.u32 s13, $0x5E;
	_ =	swait.ge @!p1 [sflag:s18], $0x4000  }
0x6e: {  	s20 =	sadd.s32 $0x8, s13;
	s8 =	sshrl.u32 s8, $0x11;
	[sflag:s18] =	ssyncset.done @!p1 $0x0  }
0x6f: {  	s22 =	sadd.s32 $0x7, s13;
	s8 =	smul.u32 $0xC8, s8;
	[sflag:s18] =	ssyncadd.s32 @!p1 $0xFFFFC000  }
0x70: {  	[tilespmem:s19], [sflag:$0xE] =	stream.linear.gather @!p1 [spmem:s11], $0x4000, $0x38;
	[tilespmem:$0x1AD60] =	vst v63  }
0x71: {  	p2 =	seq.s32 s13, $0x5E;
	s8 =	ssub.s32 $0x0, s8;
	s19 =	simm.s32 $0x6D60  }
0x72: {  	s0 =	simm.s32 $0x5;
	s8 =	sshll.u32 s8, $0x6;
	_ =	swait.ge @!p1 [sflag:s17], $0x4000  }
0x73: {  	s11 =	sadd.s32 $0x6, s13;
	s13 =	sshll.u32 @!p2 s20, $0x5;
	[sflag:s17] =	ssyncset.done @!p1 $0x0  }
0x74: {  	s8 =	sand.u32 $0x3E00, s8;
	s11 =	sshll.u32 @!p2 s11, $0x5;
	[sflag:s17] =	ssyncadd.s32 @!p1 $0xFFFFC000  }
0x75: {  	[tilespmem:s6], [sflag:$0x3] =	stream.indirect.gather.add.f32 @!p1 [hbm:s3], $0x40, s9, s16, $0xb8;
	[tilespmem:$0x1AD60] =	vst v63  }
0x76: {  	s20 =	simm.s32 $0xAD60;
	s13 =	sand.u32 @!p2 $0x1FE0, s13;
	s6 =	sand.u32 @!p2 $0x1FE0, s11  }
0x77: {  	s9 =	sshll.u32 @!p2 s22, $0x5;
	s22 =	simm.s32 $0xED60;
	_ =	swait.ge [sflag:s0], $0x4000  }
0x78: {  	s6 =	smul.u32 @!p2 $0x147B, s6;
	s9 =	sand.u32 @!p2 $0x1FE0, s9;
	[sflag:s0] =	ssyncset.done $0x0  }
0x79: {  	s11 =	simm.s32 @!p3 $0xA;
	s9 =	smul.u32 @!p2 $0x147B, s9;
	[sflag:s0] =	ssyncadd.s32 $0xFFFFC000  }
0x7a: {  	s16 =	sshrl.u32 @!p2 s6, $0x11;
	s6 =	sadd.s32 @!p2 $0x800, s7;
	s0 =	simm.s32 $0x16D60  }
0x7b: {  	[hbm4b:s15+s30] =	stream.strided.scatter [tilespmem:s0], [sflag:$0xA], $0x4000, s31, s30, $0x38;
	[tilespmem:$0x1AD60] =	vst v63  }
0x7c: {  	s8 =	sadd.s32 s8, s1;
	s16 =	smul.u32 @!p2 $0xC8, s16;
	_ =	swait.ge @!p3 [sflag:s11], $0x4000  }
0x7d: {  	s13 =	smul.u32 @!p2 $0x147B, s13;
	s17 =	simm.s32 $0xE;
	[sflag:s11] =	ssyncset.done @!p3 $0x0  }
0x7e: {  	s9 =	sshrl.u32 @!p2 s9, $0x11;
	[sflag:s11] =	ssyncadd.s32 @!p3 $0xFFFFC000;
	s11 =	sand.u32 @!p2 $0xFFF8, s6  }
0x7f: {  	[tilespmem:s0], [sflag:$0xF] =	stream.linear.gather [spmem:s8], $0x4000, $0x38;
	[tilespmem:$0x1AD60] =	vst v63  }
0x80: {  	s9 =	smul.u32 @!p2 $0xC8, s9;
	s8 =	ssub.s32 @!p2 $0x0, s16;
	_ =	swait.ge [sflag:s17], $0x4000  }
0x81: {  	s16 =	sadd.s32 $0xFFFFFC00, s14;
	s8 =	sshll.u32 @!p2 s8, $0x6;
	[sflag:s17] =	ssyncset.done $0x0  }
0x82: {  	s9 =	ssub.s32 @!p2 $0x0, s9;
	s8 =	sand.u32 @!p2 $0x3E00, s8;
	[sflag:s17] =	ssyncadd.s32 $0xFFFFC000  }
0x83: {  	[tilespmem:s28], [sflag:$0x4] =	stream.indirect.gather.add.f32 [hbm:s3], $0x40, s16, s29, $0xb8;
	[tilespmem:$0x1AD60] =	vst v63  }
0x84: {  	s18 =	simm.s32 @!p2 $0x6D60;
	s28 =	simm.s32 $0x100  }
0x85: {  	s13 =	sshrl.u32 @!p2 s13, $0x11;
	s9 =	sshll.u32 @!p2 s9, $0x6;
	_ =	swait.ge [sflag:s2], $0x4000  }
0x86: {  	s9 =	sand.u32 @!p2 $0x3E00, s9;
	s16 =	simm.s32 @!p2 $0x6;
	[sflag:s2] =	ssyncset.done $0x0  }
0x87: {  	s17 =	sadd.s32 @!p2 s9, s1;
	s9 =	smul.u32 @!p2 $0xC8, s13;
	[sflag:s2] =	ssyncadd.s32 $0xFFFFC000  }
0x88: {  	[hbm4b:s12+s30] =	stream.strided.scatter [tilespmem:s19], [sflag:$0x6], $0x4000, s31, s30, $0x38;
	[tilespmem:$0x1AD60] =	vst v63  }
0x89: {  	s11 =	sshrl.u32 @!p2 s11, $0x3;
	s9 =	ssub.s32 @!p2 $0x0, s9;
	_ =	swait.ge @!p2 [sflag:s16], $0x4000  }
0x8a: {  	p3 =	sne.s32 s23, $0x63;
	s8 =	sadd.s32 @!p2 s8, s1;
	[sflag:s16] =	ssyncset.done @!p2 $0x0  }
0x8b: {  	s11 =	smul.u32 @!p2 $0x147B, s11;
	s9 =	sshll.u32 @!p2 s9, $0x6;
	[sflag:s16] =	ssyncadd.s32 @!p2 $0xFFFFC000  }
0x8c: {  	[tilespmem:s18], [sflag:$0xB] =	stream.linear.gather @!p2 [spmem:s8], $0x4000, $0x38;
	[tilespmem:$0x1AD60] =	vst v63  }
0x8d: {  	s8 =	sand.u32 @!p2 $0x3E00, s9;
	s9 =	sshrl.u32 @!p2 s11, $0x11;
	_ =	swait.ge [sflag:s4], $0x4000  }
0x8e: {  	s13 =	sadd.s32 @!p2 s8, s1;
	s8 =	smul.u32 @!p2 $0xC8, s9;
	[sflag:s4] =	ssyncset.done $0x0  }
0x8f: {  	s29 =	simm.s32 $0x16D60;
	s9 =	sadd.s32 $0xFFFFFD00, s14;
	[sflag:s4] =	ssyncadd.s32 $0xFFFFC000  }
0x90: {  	[tilespmem:s0], [sflag:$0x5] =	stream.indirect.gather.add.f32 [hbm:s3], $0x40, s9, s28, $0xb8;
	[tilespmem:$0x1AD60] =	vst v63  }
0x91: {  	s6 =	ssub.s32 @!p2 s6, s8;
	s9 =	smov.u32 s14;
	_ =	swait.ge [sflag:s5], $0x4000  }
0x92: {  	s16 =	simm.s32 @!p2 $0x7;
	s6 =	sshll.u32 @!p2 s6, $0x6;
	[sflag:s5] =	ssyncset.done $0x0  }
0x93: {  	s10 =	sadd.s32 $0x5000, s10;
	s6 =	sand.u32 @!p2 $0x3FC0, s6;
	[sflag:s5] =	ssyncadd.s32 $0xFFFFC000  }
0x94: {  	[hbm4b:s24+s30] =	stream.strided.scatter [tilespmem:s20], [sflag:$0x7], $0x4000, s31, s30, $0x38;
	[tilespmem:$0x1AD60] =	vst v63  }
0x95: {  	p1 =	por p2, p2;
	s11 =	sadd.s32 @!p2 s6, s1;
	_ =	swait.ge @!p2 [sflag:s16], $0x4000  }
0x96: {  	s8 =	simm.s32 @!p1 $0xAD60;
	s6 =	simm.s32 @!p1 $0xB;
	[sflag:s16] =	ssyncset.done @!p1 $0x0  }
0x97: {  	[sflag:s16] =	ssyncadd.s32 @!p1 $0xFFFFC000  }
0x98: {  	[tilespmem:s8], [sflag:$0xC] =	stream.linear.gather @!p1 [spmem:s17], $0x4000, $0x38;
	[tilespmem:$0x1AD60] =	vst v63  }
0x99: {  	_ =	swait.ge @!p1 [sflag:s6], $0x4000  }
0x9a: {  	[sflag:s6] =	ssyncset.done @!p1 $0x0  }
0x9b: {  	s16 =	simm.s32 @!p1 $0x100;
	[sflag:s6] =	ssyncadd.s32 @!p1 $0xFFFFC000;
	s6 =	sadd.s32 @!p1 $0xFFFFFE00, s14  }
0x9c: {  	[tilespmem:s18], [sflag:$0x1] =	stream.indirect.gather.add.f32 @!p1 [hbm:s3], $0x40, s6, s16, $0xb8;
	[tilespmem:$0x1AD60] =	vst v63  }
0x9d: {  	_ =	swait.ge [sflag:s25], $0x4000  }
0x9e: {  	[sflag:s25] =	ssyncset.done $0x0  }
0x9f: {  	s21 =	sadd.s32 $0x5000, s21;
	s6 =	simm.s32 @!p1 $0x8;
	[sflag:s25] =	ssyncadd.s32 $0xFFFFC000  }
0xa0: {  	[hbm4b:s10+s30] =	stream.strided.scatter [tilespmem:s22], [sflag:$0x8], $0x4000, s31, s30, $0x38;
	[tilespmem:$0x1AD60] =	vst v63  }
.Ltmp0:
0xa1: {  	_ =	swait.ge @!p1 [sflag:s6], $0x4000;
	(pc) =	sbr.rel @p3 .LBB2_2-.Ltmp0, $4  }
0xa2: {  	[sflag:s6] =	ssyncset.done @!p1 $0x0  }
0xa3: {  	s17 =	simm.s32 @!p1 $0xC;
	[sflag:s6] =	ssyncadd.s32 @!p1 $0xFFFFC000;
	s6 =	simm.s32 @!p1 $0xED60  }
0xa4: {  	[tilespmem:s6], [sflag:$0xD] =	stream.linear.gather @!p1 [spmem:s13], $0x4000, $0x38;
	[tilespmem:$0x1AD60] =	vst v63  }
0xa5: {  	s15 =	sadd.s32 $0x5000, s15;
	s24 =	sadd.s32 $0x5000, s24;
	_ =	swait.ge @!p1 [sflag:s17], $0x4000  }
0xa6: {  	[sflag:s17] =	ssyncset.done @!p1 $0x0  }
0xa7: {  	s7 =	sadd.s32 @!p1 $0xFFFFFF00, s14;
	s0 =	simm.s32 $0x4;
	[sflag:s17] =	ssyncadd.s32 @!p1 $0xFFFFC000  }
0xa8: {  	[tilespmem:s8], [sflag:$0x2] =	stream.indirect.gather.add.f32 @!p1 [hbm:s3], $0x40, s7, s16, $0xb8;
	[tilespmem:$0x1AD60] =	vst v63  }
0xa9: {  	_ =	swait.ge [sflag:s0], $0x4000  }
0xaa: {  	[sflag:s0] =	ssyncset.done $0x0  }
0xab: {  	s7 =	simm.s32 @!p1 $0x9;
	[sflag:s0] =	ssyncadd.s32 $0xFFFFC000  }
0xac: {  	[hbm4b:s21+s30] =	stream.strided.scatter [tilespmem:s26], [sflag:$0x9], $0x4000, s31, s30, $0x38;
	[tilespmem:$0x1AD60] =	vst v63  }
0xad: {  	_ =	swait.ge @!p1 [sflag:s7], $0x4000  }
0xae: {  	[sflag:s7] =	ssyncset.done @!p1 $0x0  }
0xaf: {  	s10 =	simm.s32 @!p1 $0x12D60;
	s8 =	simm.s32 @!p1 $0xD;
	[sflag:s7] =	ssyncadd.s32 @!p1 $0xFFFFC000  }
0xb0: {  	[tilespmem:s10], [sflag:$0xE] =	stream.linear.gather @!p1 [spmem:s11], $0x4000, $0x38;
	[tilespmem:$0x1AD60] =	vst v63  }
0xb1: {  	_ =	swait.ge @!p1 [sflag:s8], $0x4000  }
0xb2: {  	[sflag:s8] =	ssyncset.done @!p1 $0x0  }
0xb3: {  	s14 =	simm.s32 $0x5;
	[sflag:s8] =	ssyncadd.s32 @!p1 $0xFFFFC000  }
0xb4: {  	[tilespmem:s6], [sflag:$0x3] =	stream.indirect.gather.add.f32 @!p1 [hbm:s3], $0x40, s9, s16, $0xb8;
	[tilespmem:$0x1AD60] =	vst v63  }
0xb5: {  	_ =	swait.ge [sflag:s14], $0x4000  }
0xb6: {  	[sflag:s14] =	ssyncset.done $0x0  }
0xb7: {  	s16 =	simm.s32 $0x6;
	[sflag:s14] =	ssyncadd.s32 $0xFFFFC000  }
0xb8: {  	[hbm4b:s15+s30] =	stream.strided.scatter [tilespmem:s29], [sflag:$0xA], $0x4000, s31, s30, $0x38;
	[tilespmem:$0x1AD60] =	vst v63  }
0xb9: {  	_ =	swait.ge [sflag:s16], $0x4000  }
0xba: {  	[sflag:s16] =	ssyncset.done $0x0  }
0xbb: {  	s17 =	simm.s32 $0x7;
	[sflag:s16] =	ssyncadd.s32 $0xFFFFC000  }
0xbc: {  	_ =	swait.ge [sflag:s17], $0x4000  }
0xbd: {  	[sflag:s17] =	ssyncset.done $0x0  }
0xbe: {  	s18 =	simm.s32 $0x8;
	[sflag:s17] =	ssyncadd.s32 $0xFFFFC000  }
0xbf: {  	_ =	swait.ge [sflag:s18], $0x4000  }
0xc0: {  	[sflag:s18] =	ssyncset.done $0x0  }
0xc1: {  	s21 =	simm.s32 $0x9;
	[sflag:s18] =	ssyncadd.s32 $0xFFFFC000  }
0xc2: {  	_ =	swait.ge [sflag:s21], $0x4000  }
0xc3: {  	[sflag:s21] =	ssyncset.done $0x0  }
0xc4: {  	s23 =	simm.s32 $0xA;
	[sflag:s21] =	ssyncadd.s32 $0xFFFFC000  }
0xc5: {  	_ =	swait.ge [sflag:s23], $0x4000  }
0xc6: {  	s24 =	rddreg [dreg:$0x10]  }
0xc7: {  	s29 =	rddreg [dreg:$0x9];
	s7 =	sadd.s32 $0x1, s24  }
0xc8: {  	p1 =	sne.s32 s7, s29  }
.Ltmp1:
0xc9: {  	_ = 	snop;
	(pc) =	sbr.rel @p1 .LBB2_1-.Ltmp1, $4  }
0xca: {  	_ = 	snop  }
0xcb: {  	s2 =	simm.s32 $0x1  }
0xcc: {  	s4 =	simm.s32 $0xF;
	s5 =	simm.s32 $0x2;
	[sflag:s23] =	ssyncset.done $0x0  }
0xcd: {  	s13 =	simm.s32 $0x3;
	s10 =	simm.s32 $0xE;
	[sflag:s23] =	ssyncadd.s32 $0xFFFFC000  }
0xce: {  	_ =	sfence.sel $0x180000  }
0xcf: {  	[bflag:$0x0] =	sbarrier.arrive $0xFFFF  }
0xd0: {  	_ =	strace $0x90000047  }
0xd1: {  	[bflag:$0x2] =	sbarrier.arrive $0xFFFF  }
0xd2: {  	s0 =	rddreg [dreg:$0x3]  }
0xd3: {  	s0 =	sadd.s32 @!p0 $0x100000, s0  }
0xd4: {  	[sflag:s0] =	ssyncadd.tile.s32 @!p0 $0x1;
	_ =	shalt  }
.Lfunc_end2:
_tile_overlayer_lowered:
.L_overlay_start_2:
0xd5: {  	(tag) =	ssettag $0x2  }
0xd6: {  	s0 =	rddreg [dreg:$0x0];
	s2 =	stileid.u32  }
0xd7: {  	s1 =	rddreg [dreg:$0x1];
	p0 =	sne.s32 s2, $0x0  }
0xd8: {  	s3 =	rddreg [dreg:$0x2];
	[bflag:$0x3] =	sbarrier.arrive $0xFFFF;
	s2 =	simm.s32 @!p0 $0x1C10  }
0xd9: {  	[timem:s3], [sflag:s2] =	dma.local @!p0 [hbm:s0], s1  }
0xda: {  	s0 =	simm.s32 @!p0 $0x10  }
0xdb: {  	_ =	swait.ge @!p0 [sflag:s0], s1  }
0xdc: {  	s1 =	ssub.s32 @!p0 $0x0, s1;
	[sflag:s0] =	ssyncset.done @!p0 $0x0  }
0xdd: {  	[sflag:s0] =	ssyncadd.s32 @!p0 s1  }
0xde: {  	[bflag:$0x3] =	sbarrier.arrive $0xFFFF  }
0xdf: {  	_ =	shalt  }

</sc_bundles>
